<compile_context>
chip_gen: v7x
topology: tpu7x:2x2x1
jax: 0.10.2.dev20260603
libtpu: 0.0.44.dev20260713+nightly
codegen_flags: <defaults>
</compile_context>

<pallas_src>
import jax
import jax.numpy as jnp
from jax import lax
from jax.experimental import pallas as pl
from jax.experimental.pallas import tpu as pltpu
from jax.experimental.pallas import tpu_sc as plsc

N = 2048
I = 256
O = 256
B = 512
BS = 128
L = (N - I) // BS
NH = N - I
E = NH * 32

R0 = [I + BS * l for l in range(L)]
OFF128 = [64 * l * l + 192 * l for l in range(L)]
OFF = [o * BS for o in OFF128]
TOT = OFF[-1] + R0[-1] * BS

NC = 2
NS = 16
CUT = 983040
SIZE0 = CUT
SIZE1 = TOT - CUT
PAD = 1024
OUT_FLOATS = TOT
EPW = E // NS
ROWS128 = EPW // 128
TPC0 = SIZE0 // NS
TPC1 = SIZE1 // NS
ZB = 5120
ZITER = TPC0 // ZB


def _sc_scatter_body(widx_hbm, val_hbm, out_hbm,
                     dstw_v, srcw_v, val_v, idx_v, zbuf_v, wsp,
                     ldsem, zsem, ssem):
  c = lax.axis_index("c")
  s = lax.axis_index("s")

  ld_d = pltpu.async_copy(widx_hbm.at[0, pl.ds(s * EPW, EPW)], dstw_v, ldsem)
  ld_s = pltpu.async_copy(widx_hbm.at[1, pl.ds(s * EPW, EPW)], srcw_v, ldsem)
  ld_v = pltpu.async_copy(val_hbm.at[pl.ds(s * EPW, EPW)], val_v, ldsem)

  @plsc.parallel_loop(0, ZB, step=16, unroll=4)
  def _zfill(i):
    zbuf_v[pl.ds(i, 16)] = jnp.zeros((16,), jnp.float32)

  zcps = []
  for j in range(ZITER):
    zcps.append(pltpu.async_copy(
        zbuf_v, wsp.at[pl.ds(s * TPC0 + j * ZB, ZB)], zsem))

  ld_d.wait()
  ld_s.wait()
  base = c * CUT
  size_c = jnp.where(c == 0, SIZE0, SIZE1)
  trash_base = TPC0 * NS + s * 64 + jnp.arange(16, dtype=jnp.int32)

  @plsc.parallel_loop(0, ROWS128 * 8, step=1, unroll=2)
  def _cvt(i):
    j = i // 8
    k = i - j * 8
    d = dstw_v[pl.ds(i * 16, 16)] - I
    sr = srcw_v[pl.ds(i * 16, 16)]
    lyr = jnp.right_shift(d, 7)
    flat = (8192 * lyr + 24576) * lyr + sr * 128 + (d - 128 * lyr) - base
    ok = (flat >= 0) & (flat < size_c) & (sr < 128 * lyr + I)
    trash = trash_base + (i & 3) * 16
    idx_v[j, pl.ds(k * 16, 16)] = jnp.where(ok, flat, trash)

  ld_v.wait()
  for cp in zcps:
    cp.wait()
  plsc.subcore_barrier()

  for j0 in range(0, ROWS128, 14):
    cps = [pltpu.async_copy(val_v.at[pl.ds(j * 128, 128)],
                            wsp.at[idx_v.at[j]], ssem, add=True)
           for j in range(j0, j0 + 14)]
    for cp in cps:
      cp.wait()
  plsc.subcore_barrier()

  @pl.when(c == 0)
  def _out0():
    pltpu.sync_copy(wsp.at[pl.ds(s * TPC0, TPC0)],
                    out_hbm.at[pl.ds(s * TPC0, TPC0)])

  @pl.when(c == 1)
  def _out1():
    pltpu.sync_copy(wsp.at[pl.ds(s * TPC1, TPC1)],
                    out_hbm.at[pl.ds(CUT + s * TPC1, TPC1)])


def _sc_scatter(W_idx, W_val):
  mesh = plsc.VectorSubcoreMesh(core_axis_name="c", subcore_axis_name="s")
  return pl.kernel(
      _sc_scatter_body,
      out_type=jax.ShapeDtypeStruct((OUT_FLOATS,), jnp.float32),
      mesh=mesh,
      scratch_types=[
          pltpu.VMEM((EPW,), jnp.int32),
          pltpu.VMEM((EPW,), jnp.int32),
          pltpu.VMEM((EPW,), jnp.float32),
          pltpu.VMEM((ROWS128, 128), jnp.int32),
          pltpu.VMEM((ZB,), jnp.float32),
          pltpu.VMEM_SHARED((CUT + PAD,), jnp.float32),
          pltpu.SemaphoreType.DMA,
          pltpu.SemaphoreType.DMA,
          pltpu.SemaphoreType.DMA,
      ],
  )(W_idx, W_val)


def _tc_scan_body(x_ref, w_hbm, b_ref, o_ref, a_scr, *rest):
  bufs, sems = rest[:L], rest[L:]
  copies = []
  for l in range(L):
    cp = pltpu.make_async_copy(w_hbm.at[pl.ds(OFF128[l], R0[l])],
                               bufs[l], sems[l])
    cp.start()
    copies.append(cp)
  a_scr[:, :I] = x_ref[...].astype(jnp.bfloat16)
  dn = (((1,), (0,)), ((), ()))
  hprev = None
  for l in range(L):
    r0 = R0[l]
    copies[l].wait()
    w16 = bufs[l][...].astype(jnp.bfloat16)
    if l == 0:
      z = lax.dot_general(a_scr[:, :r0], w16, dn,
                          preferred_element_type=jnp.float32)
    else:
      z = (lax.dot_general(a_scr[:, :r0 - BS], w16[:r0 - BS], dn,
                           preferred_element_type=jnp.float32)
           + lax.dot_general(hprev, w16[r0 - BS:], dn,
                             preferred_element_type=jnp.float32))
    h = 1.0 / (1.0 + jnp.exp(-(z + b_ref[pl.ds(I + l * BS, BS)])))
    hprev = h.astype(jnp.bfloat16)
    a_scr[:, r0:r0 + BS] = hprev
    if l >= L - O // BS:
      lo = (l - (L - O // BS)) * BS
      o_ref[:, lo:lo + BS] = h


def _tc_scan(x, w2, b):
  return pl.pallas_call(
      _tc_scan_body,
      in_specs=[
          pl.BlockSpec((B, I), lambda: (0, 0)),
          pl.BlockSpec(memory_space=pltpu.MemorySpace.HBM),
          pl.BlockSpec((N,), lambda: (0,)),
      ],
      out_specs=pl.BlockSpec((B, O), lambda: (0, 0)),
      out_shape=jax.ShapeDtypeStruct((B, O), jnp.float32),
      scratch_shapes=(
          [pltpu.VMEM((B, N), jnp.bfloat16)]
          + [pltpu.VMEM((R0[l], 128), jnp.float32) for l in range(L)]
          + [pltpu.SemaphoreType.DMA for _ in range(L)]
      ),
  )(x, w2, b)


def kernel(x, W_idx, W_val, b):
  wflat = _sc_scatter(W_idx, W_val)
  w2 = wflat.reshape(OUT_FLOATS // 128, 128)
  return _tc_scan(x, w2, b)

# --- scband reference (transcript-rebuilt; emitter-appended) ---
"""Pipeline reference for scband-dagnn-77429670412905 (READ-ONLY COPY).

The authoritative reference and input builder live on the scoring server;
editing this copy changes nothing except your own understanding.
"""

import jax, jax.numpy as jnp
import numpy as np

N = 2048   # total DAG nodes
I = 256    # input nodes
O = 256    # output nodes
B = 512    # batch
BS = 128   # layer block size (hidden nodes grouped into layers)
L = (N - I) // BS
DEG = 32   # avg in-degree per hidden node
E = (N - I) * DEG


def setup_inputs(seed: int = 0) -> dict:
    key = jax.random.key(seed)
    k1, k2, k3, k4, k5 = jax.random.split(key, 5)
    x = jax.random.normal(k1, (B, I), dtype=jnp.float32)
    # Build a layered DAG edge list: each edge (dst <- src) has dst a hidden/output
    # node and src strictly before dst's layer-block start, so sequential node-by-node
    # evaluation (dagnn_cpp semantics) equals block-wise evaluation.
    dst = jax.random.randint(k2, (E,), I, N)
    starts = I + ((dst - I) // BS) * BS
    u = jax.random.uniform(k3, (E,), dtype=jnp.float32)
    src = jnp.floor(u * starts.astype(jnp.float32)).astype(jnp.int32)
    W_idx = jnp.stack([dst.astype(jnp.int32), src])  # row 0 = i (target), row 1 = j (source), matching torch sparse W[i, j]
    W_val = jax.random.normal(k4, (E,), dtype=jnp.float32) * (1.0 / np.sqrt(DEG))
    b = jax.random.normal(k5, (N,), dtype=jnp.float32) * 0.1
    return {"x": x, "W_idx": W_idx, "W_val": W_val, "b": b}


def reference(x, W_idx, W_val, b):
    # Scatter sparse COO weights into dense adjacency-weight matrix W[N, N].
    W = jnp.zeros((N, N), dtype=jnp.float32).at[W_idx[0], W_idx[1]].add(W_val)
    # a[:, :I] = x (input nodes); hidden/output activations start at 0.
    a0 = jnp.zeros((x.shape[0], N), dtype=jnp.float32).at[:, :I].set(x)

    # Sequential DAG propagation (a[:, i] = sigmoid(sum_j W[i, j] * a[:, j] + b[i])
    # for i = I..N-1), evaluated block-by-block in topological order.
    def step(a, l):
        r0 = I + l * BS
        Wl = jax.lax.dynamic_slice(W, (r0, 0), (BS, N))
        bl = jax.lax.dynamic_slice(b, (r0,), (BS,))
        h = jax.nn.sigmoid(a @ Wl.T + bl)
        a = jax.lax.dynamic_update_slice(a, h, (0, r0))
        return a, None

    a, _ = jax.lax.scan(step, a0, jnp.arange(L))
    y = a[:, N - O:N]
    return y

if __name__ == "__main__":
    import jax
    _d = setup_inputs()
    print(jax.jit(kernel)(*tuple(_d.values())))

</pallas_src>

<mosaic_0001>
#map = affine_map<(d0, d1) -> (0, 0)>
#map1 = affine_map<(d0, d1) -> (0)>
module attributes {stable_mosaic.version = 14 : i64} {
  func.func @_sc_scatter_body(%arg0: i32, %arg1: i32, %arg2: memref<2x57344xi32, #tpu.memory_space<hbm>>, %arg3: memref<57344xf32, #tpu.memory_space<hbm>>, %arg4: memref<1949696xf32, #tpu.memory_space<hbm>>, %arg5: memref<3584xi32, #tpu.memory_space<vmem>>, %arg6: memref<3584xi32, #tpu.memory_space<vmem>>, %arg7: memref<3584xf32, #tpu.memory_space<vmem>>, %arg8: memref<28x128xi32, #tpu.memory_space<vmem>>, %arg9: memref<5120xf32, #tpu.memory_space<vmem>>, %arg10: memref<984064xf32, #tpu.memory_space<vmem_shared>>, %arg11: memref<!tpu.dma_semaphore, #tpu.memory_space<semaphore_mem>>, %arg12: memref<!tpu.dma_semaphore, #tpu.memory_space<semaphore_mem>>, %arg13: memref<!tpu.dma_semaphore, #tpu.memory_space<semaphore_mem>>) attributes {dimension_semantics = [#tpu.dimension_semantics<core_parallel>, #tpu.dimension_semantics<subcore_parallel>], iteration_bounds = array<i64: 2, 16>, scalar_prefetch = 0 : i64, scratch_operands = 9 : i64, tpu.core_type = #tpu.core_type<sc_vector_subcore>, window_params = [{transform_indices = #map}, {transform_indices = #map1}, {transform_indices = #map1}]} {
    %mul3A = arith.constant 3584 : i32
    %mul3A_0 = arith.muli %arg1, %mul3A : i32
    %dma_start3A = arith.constant 0 : i32
    %dma_start3A_1 = tpu.memref_slice %arg2[%dma_start3A, %mul3A_0] : memref<2x57344xi32, #tpu.memory_space<hbm>> -> memref<1x3584xi32, #tpu.memory_space<hbm>>
    %dma_start3A_2 = tpu.memref_squeeze %dma_start3A_1 : memref<1x3584xi32, #tpu.memory_space<hbm>> -> memref<3584xi32, #tpu.memory_space<hbm>>
    %dma_start3A_3 = tpu.memref_slice %arg2[%dma_start3A, %mul3A_0] : memref<2x57344xi32, #tpu.memory_space<hbm>> -> memref<1x3584xi32, #tpu.memory_space<hbm>>
    %dma_start3A_4 = tpu.memref_squeeze %dma_start3A_3 : memref<1x3584xi32, #tpu.memory_space<hbm>> -> memref<3584xi32, #tpu.memory_space<hbm>>
    tpu.enqueue_dma source(%dma_start3A_4 : memref<3584xi32, #tpu.memory_space<hbm>>) target(%arg5 : memref<3584xi32, #tpu.memory_space<vmem>>) target_semaphore(%arg11 : memref<!tpu.dma_semaphore, #tpu.memory_space<semaphore_mem>>)
    %mul3A_5 = arith.constant 3584 : i32
    %mul3A_6 = arith.muli %arg1, %mul3A_5 : i32
    %dma_start3A_7 = arith.constant 1 : i32
    %dma_start3A_8 = tpu.memref_slice %arg2[%dma_start3A_7, %mul3A_6] : memref<2x57344xi32, #tpu.memory_space<hbm>> -> memref<1x3584xi32, #tpu.memory_space<hbm>>
    %dma_start3A_9 = tpu.memref_squeeze %dma_start3A_8 : memref<1x3584xi32, #tpu.memory_space<hbm>> -> memref<3584xi32, #tpu.memory_space<hbm>>
    %dma_start3A_10 = tpu.memref_slice %arg2[%dma_start3A_7, %mul3A_6] : memref<2x57344xi32, #tpu.memory_space<hbm>> -> memref<1x3584xi32, #tpu.memory_space<hbm>>
    %dma_start3A_11 = tpu.memref_squeeze %dma_start3A_10 : memref<1x3584xi32, #tpu.memory_space<hbm>> -> memref<3584xi32, #tpu.memory_space<hbm>>
    tpu.enqueue_dma source(%dma_start3A_11 : memref<3584xi32, #tpu.memory_space<hbm>>) target(%arg6 : memref<3584xi32, #tpu.memory_space<vmem>>) target_semaphore(%arg11 : memref<!tpu.dma_semaphore, #tpu.memory_space<semaphore_mem>>)
    %mul3A_12 = arith.constant 3584 : i32
    %mul3A_13 = arith.muli %arg1, %mul3A_12 : i32
    %dma_start3A_14 = tpu.memref_slice %arg3[%mul3A_13] : memref<57344xf32, #tpu.memory_space<hbm>> -> memref<3584xf32, #tpu.memory_space<hbm>>
    %dma_start3A_15 = tpu.memref_slice %arg3[%mul3A_13] : memref<57344xf32, #tpu.memory_space<hbm>> -> memref<3584xf32, #tpu.memory_space<hbm>>
    tpu.enqueue_dma source(%dma_start3A_15 : memref<3584xf32, #tpu.memory_space<hbm>>) target(%arg7 : memref<3584xf32, #tpu.memory_space<vmem>>) target_semaphore(%arg11 : memref<!tpu.dma_semaphore, #tpu.memory_space<semaphore_mem>>)
    %parallel_loop3A = arith.constant 0 : i32
    %parallel_loop3A_16 = arith.constant 5120 : i32
    %parallel_loop3A_17 = arith.constant 16 : i32
    scf.for %parallel_loop3A_594 = %parallel_loop3A to %parallel_loop3A_16 step %parallel_loop3A_17  : i32 {
      %parallel_loop3A_595 = arith.constant 0.000000e+00 : f32
      %parallel_loop3A_596 = vector.broadcast %parallel_loop3A_595 : f32 to vector<16xf32>
      %parallel_loop3A_597 = arith.index_cast %parallel_loop3A_594 : i32 to index
      %parallel_loop3A_598 = tpu.vector_load %arg9[%parallel_loop3A_597] {strides = array<i32>} : memref<5120xf32, #tpu.memory_space<vmem>>, vector<16xf32>,
      %parallel_loop3A_599 = vector.shape_cast %parallel_loop3A_598 : vector<16xf32> to vector<16xf32>
      %parallel_loop3A_600 = vector.shape_cast %parallel_loop3A_596 : vector<16xf32> to vector<16xf32>
      tpu.vector_store %arg9[%parallel_loop3A_597], %parallel_loop3A_600 {strides = array<i32>} : memref<5120xf32, #tpu.memory_space<vmem>>, vector<16xf32>,
    } {sc.loop_unroll_factor = 4 : i64, sc.parallel_access}
    %mul3A_18 = arith.constant 61440 : i32
    %mul3A_19 = arith.muli %arg1, %mul3A_18 : i32
    %add3A = arith.constant 0 : i32
    %add3A_20 = arith.addi %mul3A_19, %add3A : i32
    %dma_start3A_21 = tpu.memref_slice %arg10[%add3A_20] : memref<984064xf32, #tpu.memory_space<vmem_shared>> -> memref<5120xf32, #tpu.memory_space<vmem_shared>>
    %dma_start3A_22 = tpu.memref_slice %arg10[%add3A_20] : memref<984064xf32, #tpu.memory_space<vmem_shared>> -> memref<5120xf32, #tpu.memory_space<vmem_shared>>
    tpu.enqueue_dma source(%arg9 : memref<5120xf32, #tpu.memory_space<vmem>>) target(%dma_start3A_22 : memref<5120xf32, #tpu.memory_space<vmem_shared>>) target_semaphore(%arg12 : memref<!tpu.dma_semaphore, #tpu.memory_space<semaphore_mem>>)
    %mul3A_23 = arith.constant 61440 : i32
    %mul3A_24 = arith.muli %arg1, %mul3A_23 : i32
    %add3A_25 = arith.constant 5120 : i32
    %add3A_26 = arith.addi %mul3A_24, %add3A_25 : i32
    %dma_start3A_27 = tpu.memref_slice %arg10[%add3A_26] : memref<984064xf32, #tpu.memory_space<vmem_shared>> -> memref<5120xf32, #tpu.memory_space<vmem_shared>>
    %dma_start3A_28 = tpu.memref_slice %arg10[%add3A_26] : memref<984064xf32, #tpu.memory_space<vmem_shared>> -> memref<5120xf32, #tpu.memory_space<vmem_shared>>
    tpu.enqueue_dma source(%arg9 : memref<5120xf32, #tpu.memory_space<vmem>>) target(%dma_start3A_28 : memref<5120xf32, #tpu.memory_space<vmem_shared>>) target_semaphore(%arg12 : memref<!tpu.dma_semaphore, #tpu.memory_space<semaphore_mem>>)
    %mul3A_29 = arith.constant 61440 : i32
    %mul3A_30 = arith.muli %arg1, %mul3A_29 : i32
    %add3A_31 = arith.constant 10240 : i32
    %add3A_32 = arith.addi %mul3A_30, %add3A_31 : i32
    %dma_start3A_33 = tpu.memref_slice %arg10[%add3A_32] : memref<984064xf32, #tpu.memory_space<vmem_shared>> -> memref<5120xf32, #tpu.memory_space<vmem_shared>>
    %dma_start3A_34 = tpu.memref_slice %arg10[%add3A_32] : memref<984064xf32, #tpu.memory_space<vmem_shared>> -> memref<5120xf32, #tpu.memory_space<vmem_shared>>
    tpu.enqueue_dma source(%arg9 : memref<5120xf32, #tpu.memory_space<vmem>>) target(%dma_start3A_34 : memref<5120xf32, #tpu.memory_space<vmem_shared>>) target_semaphore(%arg12 : memref<!tpu.dma_semaphore, #tpu.memory_space<semaphore_mem>>)
    %mul3A_35 = arith.constant 61440 : i32
    %mul3A_36 = arith.muli %arg1, %mul3A_35 : i32
    %add3A_37 = arith.constant 15360 : i32
    %add3A_38 = arith.addi %mul3A_36, %add3A_37 : i32
    %dma_start3A_39 = tpu.memref_slice %arg10[%add3A_38] : memref<984064xf32, #tpu.memory_space<vmem_shared>> -> memref<5120xf32, #tpu.memory_space<vmem_shared>>
    %dma_start3A_40 = tpu.memref_slice %arg10[%add3A_38] : memref<984064xf32, #tpu.memory_space<vmem_shared>> -> memref<5120xf32, #tpu.memory_space<vmem_shared>>
    tpu.enqueue_dma source(%arg9 : memref<5120xf32, #tpu.memory_space<vmem>>) target(%dma_start3A_40 : memref<5120xf32, #tpu.memory_space<vmem_shared>>) target_semaphore(%arg12 : memref<!tpu.dma_semaphore, #tpu.memory_space<semaphore_mem>>)
    %mul3A_41 = arith.constant 61440 : i32
    %mul3A_42 = arith.muli %arg1, %mul3A_41 : i32
    %add3A_43 = arith.constant 20480 : i32
    %add3A_44 = arith.addi %mul3A_42, %add3A_43 : i32
    %dma_start3A_45 = tpu.memref_slice %arg10[%add3A_44] : memref<984064xf32, #tpu.memory_space<vmem_shared>> -> memref<5120xf32, #tpu.memory_space<vmem_shared>>
    %dma_start3A_46 = tpu.memref_slice %arg10[%add3A_44] : memref<984064xf32, #tpu.memory_space<vmem_shared>> -> memref<5120xf32, #tpu.memory_space<vmem_shared>>
    tpu.enqueue_dma source(%arg9 : memref<5120xf32, #tpu.memory_space<vmem>>) target(%dma_start3A_46 : memref<5120xf32, #tpu.memory_space<vmem_shared>>) target_semaphore(%arg12 : memref<!tpu.dma_semaphore, #tpu.memory_space<semaphore_mem>>)
    %mul3A_47 = arith.constant 61440 : i32
    %mul3A_48 = arith.muli %arg1, %mul3A_47 : i32
    %add3A_49 = arith.constant 25600 : i32
    %add3A_50 = arith.addi %mul3A_48, %add3A_49 : i32
    %dma_start3A_51 = tpu.memref_slice %arg10[%add3A_50] : memref<984064xf32, #tpu.memory_space<vmem_shared>> -> memref<5120xf32, #tpu.memory_space<vmem_shared>>
    %dma_start3A_52 = tpu.memref_slice %arg10[%add3A_50] : memref<984064xf32, #tpu.memory_space<vmem_shared>> -> memref<5120xf32, #tpu.memory_space<vmem_shared>>
    tpu.enqueue_dma source(%arg9 : memref<5120xf32, #tpu.memory_space<vmem>>) target(%dma_start3A_52 : memref<5120xf32, #tpu.memory_space<vmem_shared>>) target_semaphore(%arg12 : memref<!tpu.dma_semaphore, #tpu.memory_space<semaphore_mem>>)
    %mul3A_53 = arith.constant 61440 : i32
    %mul3A_54 = arith.muli %arg1, %mul3A_53 : i32
    %add3A_55 = arith.constant 30720 : i32
    %add3A_56 = arith.addi %mul3A_54, %add3A_55 : i32
    %dma_start3A_57 = tpu.memref_slice %arg10[%add3A_56] : memref<984064xf32, #tpu.memory_space<vmem_shared>> -> memref<5120xf32, #tpu.memory_space<vmem_shared>>
    %dma_start3A_58 = tpu.memref_slice %arg10[%add3A_56] : memref<984064xf32, #tpu.memory_space<vmem_shared>> -> memref<5120xf32, #tpu.memory_space<vmem_shared>>
    tpu.enqueue_dma source(%arg9 : memref<5120xf32, #tpu.memory_space<vmem>>) target(%dma_start3A_58 : memref<5120xf32, #tpu.memory_space<vmem_shared>>) target_semaphore(%arg12 : memref<!tpu.dma_semaphore, #tpu.memory_space<semaphore_mem>>)
    %mul3A_59 = arith.constant 61440 : i32
    %mul3A_60 = arith.muli %arg1, %mul3A_59 : i32
    %add3A_61 = arith.constant 35840 : i32
    %add3A_62 = arith.addi %mul3A_60, %add3A_61 : i32
    %dma_start3A_63 = tpu.memref_slice %arg10[%add3A_62] : memref<984064xf32, #tpu.memory_space<vmem_shared>> -> memref<5120xf32, #tpu.memory_space<vmem_shared>>
    %dma_start3A_64 = tpu.memref_slice %arg10[%add3A_62] : memref<984064xf32, #tpu.memory_space<vmem_shared>> -> memref<5120xf32, #tpu.memory_space<vmem_shared>>
    tpu.enqueue_dma source(%arg9 : memref<5120xf32, #tpu.memory_space<vmem>>) target(%dma_start3A_64 : memref<5120xf32, #tpu.memory_space<vmem_shared>>) target_semaphore(%arg12 : memref<!tpu.dma_semaphore, #tpu.memory_space<semaphore_mem>>)
    %mul3A_65 = arith.constant 61440 : i32
    %mul3A_66 = arith.muli %arg1, %mul3A_65 : i32
    %add3A_67 = arith.constant 40960 : i32
    %add3A_68 = arith.addi %mul3A_66, %add3A_67 : i32
    %dma_start3A_69 = tpu.memref_slice %arg10[%add3A_68] : memref<984064xf32, #tpu.memory_space<vmem_shared>> -> memref<5120xf32, #tpu.memory_space<vmem_shared>>
    %dma_start3A_70 = tpu.memref_slice %arg10[%add3A_68] : memref<984064xf32, #tpu.memory_space<vmem_shared>> -> memref<5120xf32, #tpu.memory_space<vmem_shared>>
    tpu.enqueue_dma source(%arg9 : memref<5120xf32, #tpu.memory_space<vmem>>) target(%dma_start3A_70 : memref<5120xf32, #tpu.memory_space<vmem_shared>>) target_semaphore(%arg12 : memref<!tpu.dma_semaphore, #tpu.memory_space<semaphore_mem>>)
    %mul3A_71 = arith.constant 61440 : i32
    %mul3A_72 = arith.muli %arg1, %mul3A_71 : i32
    %add3A_73 = arith.constant 46080 : i32
    %add3A_74 = arith.addi %mul3A_72, %add3A_73 : i32
    %dma_start3A_75 = tpu.memref_slice %arg10[%add3A_74] : memref<984064xf32, #tpu.memory_space<vmem_shared>> -> memref<5120xf32, #tpu.memory_space<vmem_shared>>
    %dma_start3A_76 = tpu.memref_slice %arg10[%add3A_74] : memref<984064xf32, #tpu.memory_space<vmem_shared>> -> memref<5120xf32, #tpu.memory_space<vmem_shared>>
    tpu.enqueue_dma source(%arg9 : memref<5120xf32, #tpu.memory_space<vmem>>) target(%dma_start3A_76 : memref<5120xf32, #tpu.memory_space<vmem_shared>>) target_semaphore(%arg12 : memref<!tpu.dma_semaphore, #tpu.memory_space<semaphore_mem>>)
    %mul3A_77 = arith.constant 61440 : i32
    %mul3A_78 = arith.muli %arg1, %mul3A_77 : i32
    %add3A_79 = arith.constant 51200 : i32
    %add3A_80 = arith.addi %mul3A_78, %add3A_79 : i32
    %dma_start3A_81 = tpu.memref_slice %arg10[%add3A_80] : memref<984064xf32, #tpu.memory_space<vmem_shared>> -> memref<5120xf32, #tpu.memory_space<vmem_shared>>
    %dma_start3A_82 = tpu.memref_slice %arg10[%add3A_80] : memref<984064xf32, #tpu.memory_space<vmem_shared>> -> memref<5120xf32, #tpu.memory_space<vmem_shared>>
    tpu.enqueue_dma source(%arg9 : memref<5120xf32, #tpu.memory_space<vmem>>) target(%dma_start3A_82 : memref<5120xf32, #tpu.memory_space<vmem_shared>>) target_semaphore(%arg12 : memref<!tpu.dma_semaphore, #tpu.memory_space<semaphore_mem>>)
    %mul3A_83 = arith.constant 61440 : i32
    %mul3A_84 = arith.muli %arg1, %mul3A_83 : i32
    %add3A_85 = arith.constant 56320 : i32
    %add3A_86 = arith.addi %mul3A_84, %add3A_85 : i32
    %dma_start3A_87 = tpu.memref_slice %arg10[%add3A_86] : memref<984064xf32, #tpu.memory_space<vmem_shared>> -> memref<5120xf32, #tpu.memory_space<vmem_shared>>
    %dma_start3A_88 = tpu.memref_slice %arg10[%add3A_86] : memref<984064xf32, #tpu.memory_space<vmem_shared>> -> memref<5120xf32, #tpu.memory_space<vmem_shared>>
    tpu.enqueue_dma source(%arg9 : memref<5120xf32, #tpu.memory_space<vmem>>) target(%dma_start3A_88 : memref<5120xf32, #tpu.memory_space<vmem_shared>>) target_semaphore(%arg12 : memref<!tpu.dma_semaphore, #tpu.memory_space<semaphore_mem>>)
    %dma_wait3A = arith.constant 0 : i32
    %dma_wait3A_89 = tpu.memref_slice %arg2[%dma_wait3A, %mul3A_0] : memref<2x57344xi32, #tpu.memory_space<hbm>> -> memref<1x3584xi32, #tpu.memory_space<hbm>>
    %dma_wait3A_90 = tpu.memref_squeeze %dma_wait3A_89 : memref<1x3584xi32, #tpu.memory_space<hbm>> -> memref<3584xi32, #tpu.memory_space<hbm>>
    %dma_wait3A_91 = tpu.memref_slice %arg2[%dma_wait3A, %mul3A_0] : memref<2x57344xi32, #tpu.memory_space<hbm>> -> memref<1x3584xi32, #tpu.memory_space<hbm>>
    %dma_wait3A_92 = tpu.memref_squeeze %dma_wait3A_91 : memref<1x3584xi32, #tpu.memory_space<hbm>> -> memref<3584xi32, #tpu.memory_space<hbm>>
    tpu.wait_dma2 semaphore(%arg11 : memref<!tpu.dma_semaphore, #tpu.memory_space<semaphore_mem>>) src(%dma_wait3A_92 : memref<3584xi32, #tpu.memory_space<hbm>>) dst(%arg5 : memref<3584xi32, #tpu.memory_space<vmem>>)
    %dma_wait3A_93 = arith.constant 1 : i32
    %dma_wait3A_94 = tpu.memref_slice %arg2[%dma_wait3A_93, %mul3A_6] : memref<2x57344xi32, #tpu.memory_space<hbm>> -> memref<1x3584xi32, #tpu.memory_space<hbm>>
    %dma_wait3A_95 = tpu.memref_squeeze %dma_wait3A_94 : memref<1x3584xi32, #tpu.memory_space<hbm>> -> memref<3584xi32, #tpu.memory_space<hbm>>
    %dma_wait3A_96 = tpu.memref_slice %arg2[%dma_wait3A_93, %mul3A_6] : memref<2x57344xi32, #tpu.memory_space<hbm>> -> memref<1x3584xi32, #tpu.memory_space<hbm>>
    %dma_wait3A_97 = tpu.memref_squeeze %dma_wait3A_96 : memref<1x3584xi32, #tpu.memory_space<hbm>> -> memref<3584xi32, #tpu.memory_space<hbm>>
    tpu.wait_dma2 semaphore(%arg11 : memref<!tpu.dma_semaphore, #tpu.memory_space<semaphore_mem>>) src(%dma_wait3A_97 : memref<3584xi32, #tpu.memory_space<hbm>>) dst(%arg6 : memref<3584xi32, #tpu.memory_space<vmem>>)
    %mul3A_98 = arith.constant 983040 : i32
    %mul3A_99 = arith.muli %arg0, %mul3A_98 : i32
    %eq3A = arith.constant 0 : i32
    %eq3A_100 = arith.cmpi eq, %arg0, %eq3A : i32
    %jit3A = arith.constant 983040 : i32
    %jit3A_101 = arith.constant 966656 : i32
    %select_n3A = arith.select %eq3A_100, %jit3A, %jit3A_101 : i32
    %mul3A_102 = arith.constant 64 : i32
    %mul3A_103 = arith.muli %arg1, %mul3A_102 : i32
    %add3A_104 = arith.constant 983040 : i32
    %add3A_105 = arith.addi %add3A_104, %mul3A_103 : i32
    %iota3A = tpu.iota {dimensions = array<i32: 0>} : vector<16xi32>
    %add3A_106 = vector.broadcast %add3A_105 : i32 to vector<16xi32>
    %add3A_107 = arith.addi %add3A_106, %iota3A : vector<16xi32>
    %parallel_loop3A_108 = arith.constant 0 : i32
    %parallel_loop3A_109 = arith.constant 224 : i32
    %parallel_loop3A_110 = arith.constant 1 : i32
    scf.for %parallel_loop3A_594 = %parallel_loop3A_108 to %parallel_loop3A_109 step %parallel_loop3A_110  : i32 {
      %parallel_loop3A_595 = arith.constant 8 : i32
      %parallel_loop3A_596 = arith.divsi %parallel_loop3A_594, %parallel_loop3A_595 : i32
      %parallel_loop3A_597 = arith.constant 0 : i32
      %parallel_loop3A_598 = arith.cmpi sgt, %parallel_loop3A_594, %parallel_loop3A_597 : i32
      %parallel_loop3A_599 = arith.extui %parallel_loop3A_598 : i1 to i32
      %parallel_loop3A_600 = arith.constant 0 : i32
      %parallel_loop3A_601 = arith.cmpi slt, %parallel_loop3A_594, %parallel_loop3A_600 : i32
      %parallel_loop3A_602 = arith.extui %parallel_loop3A_601 : i1 to i32
      %parallel_loop3A_603 = arith.subi %parallel_loop3A_599, %parallel_loop3A_602 : i32
      %parallel_loop3A_604 = arith.constant 0 : i32
      %parallel_loop3A_605 = arith.cmpi sgt, %parallel_loop3A_595, %parallel_loop3A_604 : i32
      %parallel_loop3A_606 = arith.extui %parallel_loop3A_605 : i1 to i32
      %parallel_loop3A_607 = arith.constant 0 : i32
      %parallel_loop3A_608 = arith.cmpi slt, %parallel_loop3A_595, %parallel_loop3A_607 : i32
      %parallel_loop3A_609 = arith.extui %parallel_loop3A_608 : i1 to i32
      %parallel_loop3A_610 = arith.subi %parallel_loop3A_606, %parallel_loop3A_609 : i32
      %parallel_loop3A_611 = arith.cmpi ne, %parallel_loop3A_603, %parallel_loop3A_610 : i32
      %parallel_loop3A_612 = arith.remsi %parallel_loop3A_594, %parallel_loop3A_595 : i32
      %parallel_loop3A_613 = arith.constant 0 : i32
      %parallel_loop3A_614 = arith.cmpi ne, %parallel_loop3A_612, %parallel_loop3A_613 : i32
      %parallel_loop3A_615 = arith.andi %parallel_loop3A_611, %parallel_loop3A_614 : i1
      %parallel_loop3A_616 = arith.constant 1 : i32
      %parallel_loop3A_617 = arith.subi %parallel_loop3A_596, %parallel_loop3A_616 : i32
      %parallel_loop3A_618 = arith.select %parallel_loop3A_615, %parallel_loop3A_617, %parallel_loop3A_596 : i32
      %parallel_loop3A_619 = arith.constant 8 : i32
      %parallel_loop3A_620 = arith.muli %parallel_loop3A_618, %parallel_loop3A_619 : i32
      %parallel_loop3A_621 = arith.subi %parallel_loop3A_594, %parallel_loop3A_620 : i32
      %parallel_loop3A_622 = arith.constant 16 : i32
      %parallel_loop3A_623 = arith.muli %parallel_loop3A_594, %parallel_loop3A_622 : i32
      %parallel_loop3A_624 = arith.index_cast %parallel_loop3A_623 : i32 to index
      %parallel_loop3A_625 = tpu.vector_load %arg5[%parallel_loop3A_624] {strides = array<i32>} : memref<3584xi32, #tpu.memory_space<vmem>>, vector<16xi32>,
      %parallel_loop3A_626 = vector.shape_cast %parallel_loop3A_625 : vector<16xi32> to vector<16xi32>
      %parallel_loop3A_627 = arith.constant 256 : i32
      %parallel_loop3A_628 = vector.broadcast %parallel_loop3A_627 : i32 to vector<16xi32>
      %parallel_loop3A_629 = arith.subi %parallel_loop3A_626, %parallel_loop3A_628 : vector<16xi32>
      %parallel_loop3A_630 = arith.constant 16 : i32
      %parallel_loop3A_631 = arith.muli %parallel_loop3A_594, %parallel_loop3A_630 : i32
      %parallel_loop3A_632 = arith.index_cast %parallel_loop3A_631 : i32 to index
      %parallel_loop3A_633 = tpu.vector_load %arg6[%parallel_loop3A_632] {strides = array<i32>} : memref<3584xi32, #tpu.memory_space<vmem>>, vector<16xi32>,
      %parallel_loop3A_634 = vector.shape_cast %parallel_loop3A_633 : vector<16xi32> to vector<16xi32>
      %parallel_loop3A_635 = arith.constant 7 : i32
      %parallel_loop3A_636 = vector.broadcast %parallel_loop3A_635 : i32 to vector<16xi32>
      %parallel_loop3A_637 = arith.shrsi %parallel_loop3A_629, %parallel_loop3A_636 : vector<16xi32>
      %parallel_loop3A_638 = arith.constant 8192 : i32
      %parallel_loop3A_639 = vector.broadcast %parallel_loop3A_638 : i32 to vector<16xi32>
      %parallel_loop3A_640 = arith.muli %parallel_loop3A_639, %parallel_loop3A_637 : vector<16xi32>
      %parallel_loop3A_641 = arith.constant 24576 : i32
      %parallel_loop3A_642 = vector.broadcast %parallel_loop3A_641 : i32 to vector<16xi32>
      %parallel_loop3A_643 = arith.addi %parallel_loop3A_640, %parallel_loop3A_642 : vector<16xi32>
      %parallel_loop3A_644 = arith.muli %parallel_loop3A_643, %parallel_loop3A_637 : vector<16xi32>
      %parallel_loop3A_645 = arith.constant 128 : i32
      %parallel_loop3A_646 = vector.broadcast %parallel_loop3A_645 : i32 to vector<16xi32>
      %parallel_loop3A_647 = arith.muli %parallel_loop3A_634, %parallel_loop3A_646 : vector<16xi32>
      %parallel_loop3A_648 = arith.addi %parallel_loop3A_644, %parallel_loop3A_647 : vector<16xi32>
      %parallel_loop3A_649 = arith.constant 128 : i32
      %parallel_loop3A_650 = vector.broadcast %parallel_loop3A_649 : i32 to vector<16xi32>
      %parallel_loop3A_651 = arith.muli %parallel_loop3A_650, %parallel_loop3A_637 : vector<16xi32>
      %parallel_loop3A_652 = arith.subi %parallel_loop3A_629, %parallel_loop3A_651 : vector<16xi32>
      %parallel_loop3A_653 = arith.addi %parallel_loop3A_648, %parallel_loop3A_652 : vector<16xi32>
      %parallel_loop3A_654 = vector.broadcast %mul3A_99 : i32 to vector<16xi32>
      %parallel_loop3A_655 = arith.subi %parallel_loop3A_653, %parallel_loop3A_654 : vector<16xi32>
      %parallel_loop3A_656 = arith.constant 0 : i32
      %parallel_loop3A_657 = vector.broadcast %parallel_loop3A_656 : i32 to vector<16xi32>
      %parallel_loop3A_658 = arith.cmpi sge, %parallel_loop3A_655, %parallel_loop3A_657 : vector<16xi32>
      %parallel_loop3A_659 = vector.broadcast %select_n3A : i32 to vector<16xi32>
      %parallel_loop3A_660 = arith.cmpi slt, %parallel_loop3A_655, %parallel_loop3A_659 : vector<16xi32>
      %parallel_loop3A_661 = arith.andi %parallel_loop3A_658, %parallel_loop3A_660 : vector<16xi1>
      %parallel_loop3A_662 = arith.constant 128 : i32
      %parallel_loop3A_663 = vector.broadcast %parallel_loop3A_662 : i32 to vector<16xi32>
      %parallel_loop3A_664 = arith.muli %parallel_loop3A_663, %parallel_loop3A_637 : vector<16xi32>
      %parallel_loop3A_665 = arith.constant 256 : i32
      %parallel_loop3A_666 = vector.broadcast %parallel_loop3A_665 : i32 to vector<16xi32>
      %parallel_loop3A_667 = arith.addi %parallel_loop3A_664, %parallel_loop3A_666 : vector<16xi32>
      %parallel_loop3A_668 = arith.cmpi slt, %parallel_loop3A_634, %parallel_loop3A_667 : vector<16xi32>
      %parallel_loop3A_669 = arith.andi %parallel_loop3A_661, %parallel_loop3A_668 : vector<16xi1>
      %parallel_loop3A_670 = arith.constant 3 : i32
      %parallel_loop3A_671 = arith.andi %parallel_loop3A_594, %parallel_loop3A_670 : i32
      %parallel_loop3A_672 = arith.constant 16 : i32
      %parallel_loop3A_673 = arith.muli %parallel_loop3A_671, %parallel_loop3A_672 : i32
      %parallel_loop3A_674 = vector.broadcast %parallel_loop3A_673 : i32 to vector<16xi32>
      %parallel_loop3A_675 = arith.addi %add3A_107, %parallel_loop3A_674 : vector<16xi32>
      %parallel_loop3A_676 = arith.select %parallel_loop3A_669, %parallel_loop3A_655, %parallel_loop3A_675 : vector<16xi1>, vector<16xi32>
      %parallel_loop3A_677 = arith.constant 16 : i32
      %parallel_loop3A_678 = arith.muli %parallel_loop3A_621, %parallel_loop3A_677 : i32
      %parallel_loop3A_679 = arith.index_cast %parallel_loop3A_618 : i32 to index
      %parallel_loop3A_680 = arith.index_cast %parallel_loop3A_678 : i32 to index
      %parallel_loop3A_681 = tpu.vector_load %arg8[%parallel_loop3A_679, %parallel_loop3A_680] {strides = array<i32>} : memref<28x128xi32, #tpu.memory_space<vmem>>, vector<1x16xi32>,
      %parallel_loop3A_682 = vector.shape_cast %parallel_loop3A_681 : vector<1x16xi32> to vector<16xi32>
      %parallel_loop3A_683 = vector.shape_cast %parallel_loop3A_676 : vector<16xi32> to vector<1x16xi32>
      tpu.vector_store %arg8[%parallel_loop3A_679, %parallel_loop3A_680], %parallel_loop3A_683 {strides = array<i32>} : memref<28x128xi32, #tpu.memory_space<vmem>>, vector<1x16xi32>,
    } {sc.loop_unroll_factor = 2 : i64, sc.parallel_access}
    %dma_wait3A_111 = tpu.memref_slice %arg3[%mul3A_13] : memref<57344xf32, #tpu.memory_space<hbm>> -> memref<3584xf32, #tpu.memory_space<hbm>>
    %dma_wait3A_112 = tpu.memref_slice %arg3[%mul3A_13] : memref<57344xf32, #tpu.memory_space<hbm>> -> memref<3584xf32, #tpu.memory_space<hbm>>
    tpu.wait_dma2 semaphore(%arg11 : memref<!tpu.dma_semaphore, #tpu.memory_space<semaphore_mem>>) src(%dma_wait3A_112 : memref<3584xf32, #tpu.memory_space<hbm>>) dst(%arg7 : memref<3584xf32, #tpu.memory_space<vmem>>)
    %dma_wait3A_113 = tpu.memref_slice %arg10[%add3A_20] : memref<984064xf32, #tpu.memory_space<vmem_shared>> -> memref<5120xf32, #tpu.memory_space<vmem_shared>>
    %dma_wait3A_114 = tpu.memref_slice %arg10[%add3A_20] : memref<984064xf32, #tpu.memory_space<vmem_shared>> -> memref<5120xf32, #tpu.memory_space<vmem_shared>>
    tpu.wait_dma2 semaphore(%arg12 : memref<!tpu.dma_semaphore, #tpu.memory_space<semaphore_mem>>) src(%arg9 : memref<5120xf32, #tpu.memory_space<vmem>>) dst(%dma_wait3A_114 : memref<5120xf32, #tpu.memory_space<vmem_shared>>)
    %dma_wait3A_115 = tpu.memref_slice %arg10[%add3A_26] : memref<984064xf32, #tpu.memory_space<vmem_shared>> -> memref<5120xf32, #tpu.memory_space<vmem_shared>>
    %dma_wait3A_116 = tpu.memref_slice %arg10[%add3A_26] : memref<984064xf32, #tpu.memory_space<vmem_shared>> -> memref<5120xf32, #tpu.memory_space<vmem_shared>>
    tpu.wait_dma2 semaphore(%arg12 : memref<!tpu.dma_semaphore, #tpu.memory_space<semaphore_mem>>) src(%arg9 : memref<5120xf32, #tpu.memory_space<vmem>>) dst(%dma_wait3A_116 : memref<5120xf32, #tpu.memory_space<vmem_shared>>)
    %dma_wait3A_117 = tpu.memref_slice %arg10[%add3A_32] : memref<984064xf32, #tpu.memory_space<vmem_shared>> -> memref<5120xf32, #tpu.memory_space<vmem_shared>>
    %dma_wait3A_118 = tpu.memref_slice %arg10[%add3A_32] : memref<984064xf32, #tpu.memory_space<vmem_shared>> -> memref<5120xf32, #tpu.memory_space<vmem_shared>>
    tpu.wait_dma2 semaphore(%arg12 : memref<!tpu.dma_semaphore, #tpu.memory_space<semaphore_mem>>) src(%arg9 : memref<5120xf32, #tpu.memory_space<vmem>>) dst(%dma_wait3A_118 : memref<5120xf32, #tpu.memory_space<vmem_shared>>)
    %dma_wait3A_119 = tpu.memref_slice %arg10[%add3A_38] : memref<984064xf32, #tpu.memory_space<vmem_shared>> -> memref<5120xf32, #tpu.memory_space<vmem_shared>>
    %dma_wait3A_120 = tpu.memref_slice %arg10[%add3A_38] : memref<984064xf32, #tpu.memory_space<vmem_shared>> -> memref<5120xf32, #tpu.memory_space<vmem_shared>>
    tpu.wait_dma2 semaphore(%arg12 : memref<!tpu.dma_semaphore, #tpu.memory_space<semaphore_mem>>) src(%arg9 : memref<5120xf32, #tpu.memory_space<vmem>>) dst(%dma_wait3A_120 : memref<5120xf32, #tpu.memory_space<vmem_shared>>)
    %dma_wait3A_121 = tpu.memref_slice %arg10[%add3A_44] : memref<984064xf32, #tpu.memory_space<vmem_shared>> -> memref<5120xf32, #tpu.memory_space<vmem_shared>>
    %dma_wait3A_122 = tpu.memref_slice %arg10[%add3A_44] : memref<984064xf32, #tpu.memory_space<vmem_shared>> -> memref<5120xf32, #tpu.memory_space<vmem_shared>>
    tpu.wait_dma2 semaphore(%arg12 : memref<!tpu.dma_semaphore, #tpu.memory_space<semaphore_mem>>) src(%arg9 : memref<5120xf32, #tpu.memory_space<vmem>>) dst(%dma_wait3A_122 : memref<5120xf32, #tpu.memory_space<vmem_shared>>)
    %dma_wait3A_123 = tpu.memref_slice %arg10[%add3A_50] : memref<984064xf32, #tpu.memory_space<vmem_shared>> -> memref<5120xf32, #tpu.memory_space<vmem_shared>>
    %dma_wait3A_124 = tpu.memref_slice %arg10[%add3A_50] : memref<984064xf32, #tpu.memory_space<vmem_shared>> -> memref<5120xf32, #tpu.memory_space<vmem_shared>>
    tpu.wait_dma2 semaphore(%arg12 : memref<!tpu.dma_semaphore, #tpu.memory_space<semaphore_mem>>) src(%arg9 : memref<5120xf32, #tpu.memory_space<vmem>>) dst(%dma_wait3A_124 : memref<5120xf32, #tpu.memory_space<vmem_shared>>)
    %dma_wait3A_125 = tpu.memref_slice %arg10[%add3A_56] : memref<984064xf32, #tpu.memory_space<vmem_shared>> -> memref<5120xf32, #tpu.memory_space<vmem_shared>>
    %dma_wait3A_126 = tpu.memref_slice %arg10[%add3A_56] : memref<984064xf32, #tpu.memory_space<vmem_shared>> -> memref<5120xf32, #tpu.memory_space<vmem_shared>>
    tpu.wait_dma2 semaphore(%arg12 : memref<!tpu.dma_semaphore, #tpu.memory_space<semaphore_mem>>) src(%arg9 : memref<5120xf32, #tpu.memory_space<vmem>>) dst(%dma_wait3A_126 : memref<5120xf32, #tpu.memory_space<vmem_shared>>)
    %dma_wait3A_127 = tpu.memref_slice %arg10[%add3A_62] : memref<984064xf32, #tpu.memory_space<vmem_shared>> -> memref<5120xf32, #tpu.memory_space<vmem_shared>>
    %dma_wait3A_128 = tpu.memref_slice %arg10[%add3A_62] : memref<984064xf32, #tpu.memory_space<vmem_shared>> -> memref<5120xf32, #tpu.memory_space<vmem_shared>>
    tpu.wait_dma2 semaphore(%arg12 : memref<!tpu.dma_semaphore, #tpu.memory_space<semaphore_mem>>) src(%arg9 : memref<5120xf32, #tpu.memory_space<vmem>>) dst(%dma_wait3A_128 : memref<5120xf32, #tpu.memory_space<vmem_shared>>)
    %dma_wait3A_129 = tpu.memref_slice %arg10[%add3A_68] : memref<984064xf32, #tpu.memory_space<vmem_shared>> -> memref<5120xf32, #tpu.memory_space<vmem_shared>>
    %dma_wait3A_130 = tpu.memref_slice %arg10[%add3A_68] : memref<984064xf32, #tpu.memory_space<vmem_shared>> -> memref<5120xf32, #tpu.memory_space<vmem_shared>>
    tpu.wait_dma2 semaphore(%arg12 : memref<!tpu.dma_semaphore, #tpu.memory_space<semaphore_mem>>) src(%arg9 : memref<5120xf32, #tpu.memory_space<vmem>>) dst(%dma_wait3A_130 : memref<5120xf32, #tpu.memory_space<vmem_shared>>)
    %dma_wait3A_131 = tpu.memref_slice %arg10[%add3A_74] : memref<984064xf32, #tpu.memory_space<vmem_shared>> -> memref<5120xf32, #tpu.memory_space<vmem_shared>>
    %dma_wait3A_132 = tpu.memref_slice %arg10[%add3A_74] : memref<984064xf32, #tpu.memory_space<vmem_shared>> -> memref<5120xf32, #tpu.memory_space<vmem_shared>>
    tpu.wait_dma2 semaphore(%arg12 : memref<!tpu.dma_semaphore, #tpu.memory_space<semaphore_mem>>) src(%arg9 : memref<5120xf32, #tpu.memory_space<vmem>>) dst(%dma_wait3A_132 : memref<5120xf32, #tpu.memory_space<vmem_shared>>)
    %dma_wait3A_133 = tpu.memref_slice %arg10[%add3A_80] : memref<984064xf32, #tpu.memory_space<vmem_shared>> -> memref<5120xf32, #tpu.memory_space<vmem_shared>>
    %dma_wait3A_134 = tpu.memref_slice %arg10[%add3A_80] : memref<984064xf32, #tpu.memory_space<vmem_shared>> -> memref<5120xf32, #tpu.memory_space<vmem_shared>>
    tpu.wait_dma2 semaphore(%arg12 : memref<!tpu.dma_semaphore, #tpu.memory_space<semaphore_mem>>) src(%arg9 : memref<5120xf32, #tpu.memory_space<vmem>>) dst(%dma_wait3A_134 : memref<5120xf32, #tpu.memory_space<vmem_shared>>)
    %dma_wait3A_135 = tpu.memref_slice %arg10[%add3A_86] : memref<984064xf32, #tpu.memory_space<vmem_shared>> -> memref<5120xf32, #tpu.memory_space<vmem_shared>>
    %dma_wait3A_136 = tpu.memref_slice %arg10[%add3A_86] : memref<984064xf32, #tpu.memory_space<vmem_shared>> -> memref<5120xf32, #tpu.memory_space<vmem_shared>>
    tpu.wait_dma2 semaphore(%arg12 : memref<!tpu.dma_semaphore, #tpu.memory_space<semaphore_mem>>) src(%arg9 : memref<5120xf32, #tpu.memory_space<vmem>>) dst(%dma_wait3A_136 : memref<5120xf32, #tpu.memory_space<vmem_shared>>)
    %barrier3A = arith.constant 0 : index
    tpu.barrier barrier_id(%barrier3A)
    %dma_start3A_137 = arith.constant 0 : i32
    %dma_start3A_138 = arith.constant 0 : i32
    %dma_start3A_139 = tpu.memref_slice %arg7[%dma_start3A_138] : memref<3584xf32, #tpu.memory_space<vmem>> -> memref<128xf32, #tpu.memory_space<vmem>>
    %dma_start3A_140 = arith.constant 0 : i32
    %dma_start3A_141 = tpu.memref_slice %arg8[%dma_start3A_137, %dma_start3A_140] : memref<28x128xi32, #tpu.memory_space<vmem>> -> memref<1x128xi32, #tpu.memory_space<vmem>>
    %dma_start3A_142 = tpu.memref_squeeze %dma_start3A_141 : memref<1x128xi32, #tpu.memory_space<vmem>> -> memref<128xi32, #tpu.memory_space<vmem>>
    %dma_start3A_143 = arith.constant 0 : i32
    %dma_start3A_144 = tpu.memref_slice %arg10[%dma_start3A_143] : memref<984064xf32, #tpu.memory_space<vmem_shared>> -> memref<984064xf32, #tpu.memory_space<vmem_shared>>
    tpu.enqueue_indirect_dma source(%dma_start3A_139 : memref<128xf32, #tpu.memory_space<vmem>>) target(%dma_start3A_144 : memref<984064xf32, #tpu.memory_space<vmem_shared>>) offsets(%dma_start3A_142 : memref<128xi32, #tpu.memory_space<vmem>>) semaphore(%arg13 : memref<!tpu.dma_semaphore, #tpu.memory_space<semaphore_mem>>) {add = true}
    %dma_start3A_145 = arith.constant 1 : i32
    %dma_start3A_146 = arith.constant 128 : i32
    %dma_start3A_147 = tpu.memref_slice %arg7[%dma_start3A_146] : memref<3584xf32, #tpu.memory_space<vmem>> -> memref<128xf32, #tpu.memory_space<vmem>>
    %dma_start3A_148 = arith.constant 0 : i32
    %dma_start3A_149 = tpu.memref_slice %arg8[%dma_start3A_145, %dma_start3A_148] : memref<28x128xi32, #tpu.memory_space<vmem>> -> memref<1x128xi32, #tpu.memory_space<vmem>>
    %dma_start3A_150 = tpu.memref_squeeze %dma_start3A_149 : memref<1x128xi32, #tpu.memory_space<vmem>> -> memref<128xi32, #tpu.memory_space<vmem>>
    %dma_start3A_151 = arith.constant 0 : i32
    %dma_start3A_152 = tpu.memref_slice %arg10[%dma_start3A_151] : memref<984064xf32, #tpu.memory_space<vmem_shared>> -> memref<984064xf32, #tpu.memory_space<vmem_shared>>
    tpu.enqueue_indirect_dma source(%dma_start3A_147 : memref<128xf32, #tpu.memory_space<vmem>>) target(%dma_start3A_152 : memref<984064xf32, #tpu.memory_space<vmem_shared>>) offsets(%dma_start3A_150 : memref<128xi32, #tpu.memory_space<vmem>>) semaphore(%arg13 : memref<!tpu.dma_semaphore, #tpu.memory_space<semaphore_mem>>) {add = true}
    %dma_start3A_153 = arith.constant 2 : i32
    %dma_start3A_154 = arith.constant 256 : i32
    %dma_start3A_155 = tpu.memref_slice %arg7[%dma_start3A_154] : memref<3584xf32, #tpu.memory_space<vmem>> -> memref<128xf32, #tpu.memory_space<vmem>>
    %dma_start3A_156 = arith.constant 0 : i32
    %dma_start3A_157 = tpu.memref_slice %arg8[%dma_start3A_153, %dma_start3A_156] : memref<28x128xi32, #tpu.memory_space<vmem>> -> memref<1x128xi32, #tpu.memory_space<vmem>>
    %dma_start3A_158 = tpu.memref_squeeze %dma_start3A_157 : memref<1x128xi32, #tpu.memory_space<vmem>> -> memref<128xi32, #tpu.memory_space<vmem>>
    %dma_start3A_159 = arith.constant 0 : i32
    %dma_start3A_160 = tpu.memref_slice %arg10[%dma_start3A_159] : memref<984064xf32, #tpu.memory_space<vmem_shared>> -> memref<984064xf32, #tpu.memory_space<vmem_shared>>
    tpu.enqueue_indirect_dma source(%dma_start3A_155 : memref<128xf32, #tpu.memory_space<vmem>>) target(%dma_start3A_160 : memref<984064xf32, #tpu.memory_space<vmem_shared>>) offsets(%dma_start3A_158 : memref<128xi32, #tpu.memory_space<vmem>>) semaphore(%arg13 : memref<!tpu.dma_semaphore, #tpu.memory_space<semaphore_mem>>) {add = true}
    %dma_start3A_161 = arith.constant 3 : i32
    %dma_start3A_162 = arith.constant 384 : i32
    %dma_start3A_163 = tpu.memref_slice %arg7[%dma_start3A_162] : memref<3584xf32, #tpu.memory_space<vmem>> -> memref<128xf32, #tpu.memory_space<vmem>>
    %dma_start3A_164 = arith.constant 0 : i32
    %dma_start3A_165 = tpu.memref_slice %arg8[%dma_start3A_161, %dma_start3A_164] : memref<28x128xi32, #tpu.memory_space<vmem>> -> memref<1x128xi32, #tpu.memory_space<vmem>>
    %dma_start3A_166 = tpu.memref_squeeze %dma_start3A_165 : memref<1x128xi32, #tpu.memory_space<vmem>> -> memref<128xi32, #tpu.memory_space<vmem>>
    %dma_start3A_167 = arith.constant 0 : i32
    %dma_start3A_168 = tpu.memref_slice %arg10[%dma_start3A_167] : memref<984064xf32, #tpu.memory_space<vmem_shared>> -> memref<984064xf32, #tpu.memory_space<vmem_shared>>
    tpu.enqueue_indirect_dma source(%dma_start3A_163 : memref<128xf32, #tpu.memory_space<vmem>>) target(%dma_start3A_168 : memref<984064xf32, #tpu.memory_space<vmem_shared>>) offsets(%dma_start3A_166 : memref<128xi32, #tpu.memory_space<vmem>>) semaphore(%arg13 : memref<!tpu.dma_semaphore, #tpu.memory_space<semaphore_mem>>) {add = true}
    %dma_start3A_169 = arith.constant 4 : i32
    %dma_start3A_170 = arith.constant 512 : i32
    %dma_start3A_171 = tpu.memref_slice %arg7[%dma_start3A_170] : memref<3584xf32, #tpu.memory_space<vmem>> -> memref<128xf32, #tpu.memory_space<vmem>>
    %dma_start3A_172 = arith.constant 0 : i32
    %dma_start3A_173 = tpu.memref_slice %arg8[%dma_start3A_169, %dma_start3A_172] : memref<28x128xi32, #tpu.memory_space<vmem>> -> memref<1x128xi32, #tpu.memory_space<vmem>>
    %dma_start3A_174 = tpu.memref_squeeze %dma_start3A_173 : memref<1x128xi32, #tpu.memory_space<vmem>> -> memref<128xi32, #tpu.memory_space<vmem>>
    %dma_start3A_175 = arith.constant 0 : i32
    %dma_start3A_176 = tpu.memref_slice %arg10[%dma_start3A_175] : memref<984064xf32, #tpu.memory_space<vmem_shared>> -> memref<984064xf32, #tpu.memory_space<vmem_shared>>
    tpu.enqueue_indirect_dma source(%dma_start3A_171 : memref<128xf32, #tpu.memory_space<vmem>>) target(%dma_start3A_176 : memref<984064xf32, #tpu.memory_space<vmem_shared>>) offsets(%dma_start3A_174 : memref<128xi32, #tpu.memory_space<vmem>>) semaphore(%arg13 : memref<!tpu.dma_semaphore, #tpu.memory_space<semaphore_mem>>) {add = true}
    %dma_start3A_177 = arith.constant 5 : i32
    %dma_start3A_178 = arith.constant 640 : i32
    %dma_start3A_179 = tpu.memref_slice %arg7[%dma_start3A_178] : memref<3584xf32, #tpu.memory_space<vmem>> -> memref<128xf32, #tpu.memory_space<vmem>>
    %dma_start3A_180 = arith.constant 0 : i32
    %dma_start3A_181 = tpu.memref_slice %arg8[%dma_start3A_177, %dma_start3A_180] : memref<28x128xi32, #tpu.memory_space<vmem>> -> memref<1x128xi32, #tpu.memory_space<vmem>>
    %dma_start3A_182 = tpu.memref_squeeze %dma_start3A_181 : memref<1x128xi32, #tpu.memory_space<vmem>> -> memref<128xi32, #tpu.memory_space<vmem>>
    %dma_start3A_183 = arith.constant 0 : i32
    %dma_start3A_184 = tpu.memref_slice %arg10[%dma_start3A_183] : memref<984064xf32, #tpu.memory_space<vmem_shared>> -> memref<984064xf32, #tpu.memory_space<vmem_shared>>
    tpu.enqueue_indirect_dma source(%dma_start3A_179 : memref<128xf32, #tpu.memory_space<vmem>>) target(%dma_start3A_184 : memref<984064xf32, #tpu.memory_space<vmem_shared>>) offsets(%dma_start3A_182 : memref<128xi32, #tpu.memory_space<vmem>>) semaphore(%arg13 : memref<!tpu.dma_semaphore, #tpu.memory_space<semaphore_mem>>) {add = true}
    %dma_start3A_185 = arith.constant 6 : i32
    %dma_start3A_186 = arith.constant 768 : i32
    %dma_start3A_187 = tpu.memref_slice %arg7[%dma_start3A_186] : memref<3584xf32, #tpu.memory_space<vmem>> -> memref<128xf32, #tpu.memory_space<vmem>>
    %dma_start3A_188 = arith.constant 0 : i32
    %dma_start3A_189 = tpu.memref_slice %arg8[%dma_start3A_185, %dma_start3A_188] : memref<28x128xi32, #tpu.memory_space<vmem>> -> memref<1x128xi32, #tpu.memory_space<vmem>>
    %dma_start3A_190 = tpu.memref_squeeze %dma_start3A_189 : memref<1x128xi32, #tpu.memory_space<vmem>> -> memref<128xi32, #tpu.memory_space<vmem>>
    %dma_start3A_191 = arith.constant 0 : i32
    %dma_start3A_192 = tpu.memref_slice %arg10[%dma_start3A_191] : memref<984064xf32, #tpu.memory_space<vmem_shared>> -> memref<984064xf32, #tpu.memory_space<vmem_shared>>
    tpu.enqueue_indirect_dma source(%dma_start3A_187 : memref<128xf32, #tpu.memory_space<vmem>>) target(%dma_start3A_192 : memref<984064xf32, #tpu.memory_space<vmem_shared>>) offsets(%dma_start3A_190 : memref<128xi32, #tpu.memory_space<vmem>>) semaphore(%arg13 : memref<!tpu.dma_semaphore, #tpu.memory_space<semaphore_mem>>) {add = true}
    %dma_start3A_193 = arith.constant 7 : i32
    %dma_start3A_194 = arith.constant 896 : i32
    %dma_start3A_195 = tpu.memref_slice %arg7[%dma_start3A_194] : memref<3584xf32, #tpu.memory_space<vmem>> -> memref<128xf32, #tpu.memory_space<vmem>>
    %dma_start3A_196 = arith.constant 0 : i32
    %dma_start3A_197 = tpu.memref_slice %arg8[%dma_start3A_193, %dma_start3A_196] : memref<28x128xi32, #tpu.memory_space<vmem>> -> memref<1x128xi32, #tpu.memory_space<vmem>>
    %dma_start3A_198 = tpu.memref_squeeze %dma_start3A_197 : memref<1x128xi32, #tpu.memory_space<vmem>> -> memref<128xi32, #tpu.memory_space<vmem>>
    %dma_start3A_199 = arith.constant 0 : i32
    %dma_start3A_200 = tpu.memref_slice %arg10[%dma_start3A_199] : memref<984064xf32, #tpu.memory_space<vmem_shared>> -> memref<984064xf32, #tpu.memory_space<vmem_shared>>
    tpu.enqueue_indirect_dma source(%dma_start3A_195 : memref<128xf32, #tpu.memory_space<vmem>>) target(%dma_start3A_200 : memref<984064xf32, #tpu.memory_space<vmem_shared>>) offsets(%dma_start3A_198 : memref<128xi32, #tpu.memory_space<vmem>>) semaphore(%arg13 : memref<!tpu.dma_semaphore, #tpu.memory_space<semaphore_mem>>) {add = true}
    %dma_start3A_201 = arith.constant 8 : i32
    %dma_start3A_202 = arith.constant 1024 : i32
    %dma_start3A_203 = tpu.memref_slice %arg7[%dma_start3A_202] : memref<3584xf32, #tpu.memory_space<vmem>> -> memref<128xf32, #tpu.memory_space<vmem>>
    %dma_start3A_204 = arith.constant 0 : i32
    %dma_start3A_205 = tpu.memref_slice %arg8[%dma_start3A_201, %dma_start3A_204] : memref<28x128xi32, #tpu.memory_space<vmem>> -> memref<1x128xi32, #tpu.memory_space<vmem>>
    %dma_start3A_206 = tpu.memref_squeeze %dma_start3A_205 : memref<1x128xi32, #tpu.memory_space<vmem>> -> memref<128xi32, #tpu.memory_space<vmem>>
    %dma_start3A_207 = arith.constant 0 : i32
    %dma_start3A_208 = tpu.memref_slice %arg10[%dma_start3A_207] : memref<984064xf32, #tpu.memory_space<vmem_shared>> -> memref<984064xf32, #tpu.memory_space<vmem_shared>>
    tpu.enqueue_indirect_dma source(%dma_start3A_203 : memref<128xf32, #tpu.memory_space<vmem>>) target(%dma_start3A_208 : memref<984064xf32, #tpu.memory_space<vmem_shared>>) offsets(%dma_start3A_206 : memref<128xi32, #tpu.memory_space<vmem>>) semaphore(%arg13 : memref<!tpu.dma_semaphore, #tpu.memory_space<semaphore_mem>>) {add = true}
    %dma_start3A_209 = arith.constant 9 : i32
    %dma_start3A_210 = arith.constant 1152 : i32
    %dma_start3A_211 = tpu.memref_slice %arg7[%dma_start3A_210] : memref<3584xf32, #tpu.memory_space<vmem>> -> memref<128xf32, #tpu.memory_space<vmem>>
    %dma_start3A_212 = arith.constant 0 : i32
    %dma_start3A_213 = tpu.memref_slice %arg8[%dma_start3A_209, %dma_start3A_212] : memref<28x128xi32, #tpu.memory_space<vmem>> -> memref<1x128xi32, #tpu.memory_space<vmem>>
    %dma_start3A_214 = tpu.memref_squeeze %dma_start3A_213 : memref<1x128xi32, #tpu.memory_space<vmem>> -> memref<128xi32, #tpu.memory_space<vmem>>
    %dma_start3A_215 = arith.constant 0 : i32
    %dma_start3A_216 = tpu.memref_slice %arg10[%dma_start3A_215] : memref<984064xf32, #tpu.memory_space<vmem_shared>> -> memref<984064xf32, #tpu.memory_space<vmem_shared>>
    tpu.enqueue_indirect_dma source(%dma_start3A_211 : memref<128xf32, #tpu.memory_space<vmem>>) target(%dma_start3A_216 : memref<984064xf32, #tpu.memory_space<vmem_shared>>) offsets(%dma_start3A_214 : memref<128xi32, #tpu.memory_space<vmem>>) semaphore(%arg13 : memref<!tpu.dma_semaphore, #tpu.memory_space<semaphore_mem>>) {add = true}
    %dma_start3A_217 = arith.constant 10 : i32
    %dma_start3A_218 = arith.constant 1280 : i32
    %dma_start3A_219 = tpu.memref_slice %arg7[%dma_start3A_218] : memref<3584xf32, #tpu.memory_space<vmem>> -> memref<128xf32, #tpu.memory_space<vmem>>
    %dma_start3A_220 = arith.constant 0 : i32
    %dma_start3A_221 = tpu.memref_slice %arg8[%dma_start3A_217, %dma_start3A_220] : memref<28x128xi32, #tpu.memory_space<vmem>> -> memref<1x128xi32, #tpu.memory_space<vmem>>
    %dma_start3A_222 = tpu.memref_squeeze %dma_start3A_221 : memref<1x128xi32, #tpu.memory_space<vmem>> -> memref<128xi32, #tpu.memory_space<vmem>>
    %dma_start3A_223 = arith.constant 0 : i32
    %dma_start3A_224 = tpu.memref_slice %arg10[%dma_start3A_223] : memref<984064xf32, #tpu.memory_space<vmem_shared>> -> memref<984064xf32, #tpu.memory_space<vmem_shared>>
    tpu.enqueue_indirect_dma source(%dma_start3A_219 : memref<128xf32, #tpu.memory_space<vmem>>) target(%dma_start3A_224 : memref<984064xf32, #tpu.memory_space<vmem_shared>>) offsets(%dma_start3A_222 : memref<128xi32, #tpu.memory_space<vmem>>) semaphore(%arg13 : memref<!tpu.dma_semaphore, #tpu.memory_space<semaphore_mem>>) {add = true}
    %dma_start3A_225 = arith.constant 11 : i32
    %dma_start3A_226 = arith.constant 1408 : i32
    %dma_start3A_227 = tpu.memref_slice %arg7[%dma_start3A_226] : memref<3584xf32, #tpu.memory_space<vmem>> -> memref<128xf32, #tpu.memory_space<vmem>>
    %dma_start3A_228 = arith.constant 0 : i32
    %dma_start3A_229 = tpu.memref_slice %arg8[%dma_start3A_225, %dma_start3A_228] : memref<28x128xi32, #tpu.memory_space<vmem>> -> memref<1x128xi32, #tpu.memory_space<vmem>>
    %dma_start3A_230 = tpu.memref_squeeze %dma_start3A_229 : memref<1x128xi32, #tpu.memory_space<vmem>> -> memref<128xi32, #tpu.memory_space<vmem>>
    %dma_start3A_231 = arith.constant 0 : i32
    %dma_start3A_232 = tpu.memref_slice %arg10[%dma_start3A_231] : memref<984064xf32, #tpu.memory_space<vmem_shared>> -> memref<984064xf32, #tpu.memory_space<vmem_shared>>
    tpu.enqueue_indirect_dma source(%dma_start3A_227 : memref<128xf32, #tpu.memory_space<vmem>>) target(%dma_start3A_232 : memref<984064xf32, #tpu.memory_space<vmem_shared>>) offsets(%dma_start3A_230 : memref<128xi32, #tpu.memory_space<vmem>>) semaphore(%arg13 : memref<!tpu.dma_semaphore, #tpu.memory_space<semaphore_mem>>) {add = true}
    %dma_start3A_233 = arith.constant 12 : i32
    %dma_start3A_234 = arith.constant 1536 : i32
    %dma_start3A_235 = tpu.memref_slice %arg7[%dma_start3A_234] : memref<3584xf32, #tpu.memory_space<vmem>> -> memref<128xf32, #tpu.memory_space<vmem>>
    %dma_start3A_236 = arith.constant 0 : i32
    %dma_start3A_237 = tpu.memref_slice %arg8[%dma_start3A_233, %dma_start3A_236] : memref<28x128xi32, #tpu.memory_space<vmem>> -> memref<1x128xi32, #tpu.memory_space<vmem>>
    %dma_start3A_238 = tpu.memref_squeeze %dma_start3A_237 : memref<1x128xi32, #tpu.memory_space<vmem>> -> memref<128xi32, #tpu.memory_space<vmem>>
    %dma_start3A_239 = arith.constant 0 : i32
    %dma_start3A_240 = tpu.memref_slice %arg10[%dma_start3A_239] : memref<984064xf32, #tpu.memory_space<vmem_shared>> -> memref<984064xf32, #tpu.memory_space<vmem_shared>>
    tpu.enqueue_indirect_dma source(%dma_start3A_235 : memref<128xf32, #tpu.memory_space<vmem>>) target(%dma_start3A_240 : memref<984064xf32, #tpu.memory_space<vmem_shared>>) offsets(%dma_start3A_238 : memref<128xi32, #tpu.memory_space<vmem>>) semaphore(%arg13 : memref<!tpu.dma_semaphore, #tpu.memory_space<semaphore_mem>>) {add = true}
    %dma_start3A_241 = arith.constant 13 : i32
    %dma_start3A_242 = arith.constant 1664 : i32
    %dma_start3A_243 = tpu.memref_slice %arg7[%dma_start3A_242] : memref<3584xf32, #tpu.memory_space<vmem>> -> memref<128xf32, #tpu.memory_space<vmem>>
    %dma_start3A_244 = arith.constant 0 : i32
    %dma_start3A_245 = tpu.memref_slice %arg8[%dma_start3A_241, %dma_start3A_244] : memref<28x128xi32, #tpu.memory_space<vmem>> -> memref<1x128xi32, #tpu.memory_space<vmem>>
    %dma_start3A_246 = tpu.memref_squeeze %dma_start3A_245 : memref<1x128xi32, #tpu.memory_space<vmem>> -> memref<128xi32, #tpu.memory_space<vmem>>
    %dma_start3A_247 = arith.constant 0 : i32
    %dma_start3A_248 = tpu.memref_slice %arg10[%dma_start3A_247] : memref<984064xf32, #tpu.memory_space<vmem_shared>> -> memref<984064xf32, #tpu.memory_space<vmem_shared>>
    tpu.enqueue_indirect_dma source(%dma_start3A_243 : memref<128xf32, #tpu.memory_space<vmem>>) target(%dma_start3A_248 : memref<984064xf32, #tpu.memory_space<vmem_shared>>) offsets(%dma_start3A_246 : memref<128xi32, #tpu.memory_space<vmem>>) semaphore(%arg13 : memref<!tpu.dma_semaphore, #tpu.memory_space<semaphore_mem>>) {add = true}
    %dma_wait3A_249 = arith.constant 0 : i32
    %dma_wait3A_250 = arith.constant 0 : i32
    %dma_wait3A_251 = tpu.memref_slice %arg7[%dma_wait3A_250] : memref<3584xf32, #tpu.memory_space<vmem>> -> memref<128xf32, #tpu.memory_space<vmem>>
    %dma_wait3A_252 = arith.constant 0 : i32
    %dma_wait3A_253 = tpu.memref_slice %arg8[%dma_wait3A_249, %dma_wait3A_252] : memref<28x128xi32, #tpu.memory_space<vmem>> -> memref<1x128xi32, #tpu.memory_space<vmem>>
    %dma_wait3A_254 = tpu.memref_squeeze %dma_wait3A_253 : memref<1x128xi32, #tpu.memory_space<vmem>> -> memref<128xi32, #tpu.memory_space<vmem>>
    %dma_wait3A_255 = arith.constant 0 : i32
    %dma_wait3A_256 = tpu.memref_slice %arg10[%dma_wait3A_255] : memref<984064xf32, #tpu.memory_space<vmem_shared>> -> memref<984064xf32, #tpu.memory_space<vmem_shared>>
    tpu.wait_indirect_dma semaphore(%arg13 : memref<!tpu.dma_semaphore, #tpu.memory_space<semaphore_mem>>) src(%dma_wait3A_251 : memref<128xf32, #tpu.memory_space<vmem>>) dst(%dma_wait3A_256 : memref<984064xf32, #tpu.memory_space<vmem_shared>>)
    %dma_wait3A_257 = arith.constant 1 : i32
    %dma_wait3A_258 = arith.constant 128 : i32
    %dma_wait3A_259 = tpu.memref_slice %arg7[%dma_wait3A_258] : memref<3584xf32, #tpu.memory_space<vmem>> -> memref<128xf32, #tpu.memory_space<vmem>>
    %dma_wait3A_260 = arith.constant 0 : i32
    %dma_wait3A_261 = tpu.memref_slice %arg8[%dma_wait3A_257, %dma_wait3A_260] : memref<28x128xi32, #tpu.memory_space<vmem>> -> memref<1x128xi32, #tpu.memory_space<vmem>>
    %dma_wait3A_262 = tpu.memref_squeeze %dma_wait3A_261 : memref<1x128xi32, #tpu.memory_space<vmem>> -> memref<128xi32, #tpu.memory_space<vmem>>
    %dma_wait3A_263 = arith.constant 0 : i32
    %dma_wait3A_264 = tpu.memref_slice %arg10[%dma_wait3A_263] : memref<984064xf32, #tpu.memory_space<vmem_shared>> -> memref<984064xf32, #tpu.memory_space<vmem_shared>>
    tpu.wait_indirect_dma semaphore(%arg13 : memref<!tpu.dma_semaphore, #tpu.memory_space<semaphore_mem>>) src(%dma_wait3A_259 : memref<128xf32, #tpu.memory_space<vmem>>) dst(%dma_wait3A_264 : memref<984064xf32, #tpu.memory_space<vmem_shared>>)
    %dma_wait3A_265 = arith.constant 2 : i32
    %dma_wait3A_266 = arith.constant 256 : i32
    %dma_wait3A_267 = tpu.memref_slice %arg7[%dma_wait3A_266] : memref<3584xf32, #tpu.memory_space<vmem>> -> memref<128xf32, #tpu.memory_space<vmem>>
    %dma_wait3A_268 = arith.constant 0 : i32
    %dma_wait3A_269 = tpu.memref_slice %arg8[%dma_wait3A_265, %dma_wait3A_268] : memref<28x128xi32, #tpu.memory_space<vmem>> -> memref<1x128xi32, #tpu.memory_space<vmem>>
    %dma_wait3A_270 = tpu.memref_squeeze %dma_wait3A_269 : memref<1x128xi32, #tpu.memory_space<vmem>> -> memref<128xi32, #tpu.memory_space<vmem>>
    %dma_wait3A_271 = arith.constant 0 : i32
    %dma_wait3A_272 = tpu.memref_slice %arg10[%dma_wait3A_271] : memref<984064xf32, #tpu.memory_space<vmem_shared>> -> memref<984064xf32, #tpu.memory_space<vmem_shared>>
    tpu.wait_indirect_dma semaphore(%arg13 : memref<!tpu.dma_semaphore, #tpu.memory_space<semaphore_mem>>) src(%dma_wait3A_267 : memref<128xf32, #tpu.memory_space<vmem>>) dst(%dma_wait3A_272 : memref<984064xf32, #tpu.memory_space<vmem_shared>>)
    %dma_wait3A_273 = arith.constant 3 : i32
    %dma_wait3A_274 = arith.constant 384 : i32
    %dma_wait3A_275 = tpu.memref_slice %arg7[%dma_wait3A_274] : memref<3584xf32, #tpu.memory_space<vmem>> -> memref<128xf32, #tpu.memory_space<vmem>>
    %dma_wait3A_276 = arith.constant 0 : i32
    %dma_wait3A_277 = tpu.memref_slice %arg8[%dma_wait3A_273, %dma_wait3A_276] : memref<28x128xi32, #tpu.memory_space<vmem>> -> memref<1x128xi32, #tpu.memory_space<vmem>>
    %dma_wait3A_278 = tpu.memref_squeeze %dma_wait3A_277 : memref<1x128xi32, #tpu.memory_space<vmem>> -> memref<128xi32, #tpu.memory_space<vmem>>
    %dma_wait3A_279 = arith.constant 0 : i32
    %dma_wait3A_280 = tpu.memref_slice %arg10[%dma_wait3A_279] : memref<984064xf32, #tpu.memory_space<vmem_shared>> -> memref<984064xf32, #tpu.memory_space<vmem_shared>>
    tpu.wait_indirect_dma semaphore(%arg13 : memref<!tpu.dma_semaphore, #tpu.memory_space<semaphore_mem>>) src(%dma_wait3A_275 : memref<128xf32, #tpu.memory_space<vmem>>) dst(%dma_wait3A_280 : memref<984064xf32, #tpu.memory_space<vmem_shared>>)
    %dma_wait3A_281 = arith.constant 4 : i32
    %dma_wait3A_282 = arith.constant 512 : i32
    %dma_wait3A_283 = tpu.memref_slice %arg7[%dma_wait3A_282] : memref<3584xf32, #tpu.memory_space<vmem>> -> memref<128xf32, #tpu.memory_space<vmem>>
    %dma_wait3A_284 = arith.constant 0 : i32
    %dma_wait3A_285 = tpu.memref_slice %arg8[%dma_wait3A_281, %dma_wait3A_284] : memref<28x128xi32, #tpu.memory_space<vmem>> -> memref<1x128xi32, #tpu.memory_space<vmem>>
    %dma_wait3A_286 = tpu.memref_squeeze %dma_wait3A_285 : memref<1x128xi32, #tpu.memory_space<vmem>> -> memref<128xi32, #tpu.memory_space<vmem>>
    %dma_wait3A_287 = arith.constant 0 : i32
    %dma_wait3A_288 = tpu.memref_slice %arg10[%dma_wait3A_287] : memref<984064xf32, #tpu.memory_space<vmem_shared>> -> memref<984064xf32, #tpu.memory_space<vmem_shared>>
    tpu.wait_indirect_dma semaphore(%arg13 : memref<!tpu.dma_semaphore, #tpu.memory_space<semaphore_mem>>) src(%dma_wait3A_283 : memref<128xf32, #tpu.memory_space<vmem>>) dst(%dma_wait3A_288 : memref<984064xf32, #tpu.memory_space<vmem_shared>>)
    %dma_wait3A_289 = arith.constant 5 : i32
    %dma_wait3A_290 = arith.constant 640 : i32
    %dma_wait3A_291 = tpu.memref_slice %arg7[%dma_wait3A_290] : memref<3584xf32, #tpu.memory_space<vmem>> -> memref<128xf32, #tpu.memory_space<vmem>>
    %dma_wait3A_292 = arith.constant 0 : i32
    %dma_wait3A_293 = tpu.memref_slice %arg8[%dma_wait3A_289, %dma_wait3A_292] : memref<28x128xi32, #tpu.memory_space<vmem>> -> memref<1x128xi32, #tpu.memory_space<vmem>>
    %dma_wait3A_294 = tpu.memref_squeeze %dma_wait3A_293 : memref<1x128xi32, #tpu.memory_space<vmem>> -> memref<128xi32, #tpu.memory_space<vmem>>
    %dma_wait3A_295 = arith.constant 0 : i32
    %dma_wait3A_296 = tpu.memref_slice %arg10[%dma_wait3A_295] : memref<984064xf32, #tpu.memory_space<vmem_shared>> -> memref<984064xf32, #tpu.memory_space<vmem_shared>>
    tpu.wait_indirect_dma semaphore(%arg13 : memref<!tpu.dma_semaphore, #tpu.memory_space<semaphore_mem>>) src(%dma_wait3A_291 : memref<128xf32, #tpu.memory_space<vmem>>) dst(%dma_wait3A_296 : memref<984064xf32, #tpu.memory_space<vmem_shared>>)
    %dma_wait3A_297 = arith.constant 6 : i32
    %dma_wait3A_298 = arith.constant 768 : i32
    %dma_wait3A_299 = tpu.memref_slice %arg7[%dma_wait3A_298] : memref<3584xf32, #tpu.memory_space<vmem>> -> memref<128xf32, #tpu.memory_space<vmem>>
    %dma_wait3A_300 = arith.constant 0 : i32
    %dma_wait3A_301 = tpu.memref_slice %arg8[%dma_wait3A_297, %dma_wait3A_300] : memref<28x128xi32, #tpu.memory_space<vmem>> -> memref<1x128xi32, #tpu.memory_space<vmem>>
    %dma_wait3A_302 = tpu.memref_squeeze %dma_wait3A_301 : memref<1x128xi32, #tpu.memory_space<vmem>> -> memref<128xi32, #tpu.memory_space<vmem>>
    %dma_wait3A_303 = arith.constant 0 : i32
    %dma_wait3A_304 = tpu.memref_slice %arg10[%dma_wait3A_303] : memref<984064xf32, #tpu.memory_space<vmem_shared>> -> memref<984064xf32, #tpu.memory_space<vmem_shared>>
    tpu.wait_indirect_dma semaphore(%arg13 : memref<!tpu.dma_semaphore, #tpu.memory_space<semaphore_mem>>) src(%dma_wait3A_299 : memref<128xf32, #tpu.memory_space<vmem>>) dst(%dma_wait3A_304 : memref<984064xf32, #tpu.memory_space<vmem_shared>>)
    %dma_wait3A_305 = arith.constant 7 : i32
    %dma_wait3A_306 = arith.constant 896 : i32
    %dma_wait3A_307 = tpu.memref_slice %arg7[%dma_wait3A_306] : memref<3584xf32, #tpu.memory_space<vmem>> -> memref<128xf32, #tpu.memory_space<vmem>>
    %dma_wait3A_308 = arith.constant 0 : i32
    %dma_wait3A_309 = tpu.memref_slice %arg8[%dma_wait3A_305, %dma_wait3A_308] : memref<28x128xi32, #tpu.memory_space<vmem>> -> memref<1x128xi32, #tpu.memory_space<vmem>>
    %dma_wait3A_310 = tpu.memref_squeeze %dma_wait3A_309 : memref<1x128xi32, #tpu.memory_space<vmem>> -> memref<128xi32, #tpu.memory_space<vmem>>
    %dma_wait3A_311 = arith.constant 0 : i32
    %dma_wait3A_312 = tpu.memref_slice %arg10[%dma_wait3A_311] : memref<984064xf32, #tpu.memory_space<vmem_shared>> -> memref<984064xf32, #tpu.memory_space<vmem_shared>>
    tpu.wait_indirect_dma semaphore(%arg13 : memref<!tpu.dma_semaphore, #tpu.memory_space<semaphore_mem>>) src(%dma_wait3A_307 : memref<128xf32, #tpu.memory_space<vmem>>) dst(%dma_wait3A_312 : memref<984064xf32, #tpu.memory_space<vmem_shared>>)
    %dma_wait3A_313 = arith.constant 8 : i32
    %dma_wait3A_314 = arith.constant 1024 : i32
    %dma_wait3A_315 = tpu.memref_slice %arg7[%dma_wait3A_314] : memref<3584xf32, #tpu.memory_space<vmem>> -> memref<128xf32, #tpu.memory_space<vmem>>
    %dma_wait3A_316 = arith.constant 0 : i32
    %dma_wait3A_317 = tpu.memref_slice %arg8[%dma_wait3A_313, %dma_wait3A_316] : memref<28x128xi32, #tpu.memory_space<vmem>> -> memref<1x128xi32, #tpu.memory_space<vmem>>
    %dma_wait3A_318 = tpu.memref_squeeze %dma_wait3A_317 : memref<1x128xi32, #tpu.memory_space<vmem>> -> memref<128xi32, #tpu.memory_space<vmem>>
    %dma_wait3A_319 = arith.constant 0 : i32
    %dma_wait3A_320 = tpu.memref_slice %arg10[%dma_wait3A_319] : memref<984064xf32, #tpu.memory_space<vmem_shared>> -> memref<984064xf32, #tpu.memory_space<vmem_shared>>
    tpu.wait_indirect_dma semaphore(%arg13 : memref<!tpu.dma_semaphore, #tpu.memory_space<semaphore_mem>>) src(%dma_wait3A_315 : memref<128xf32, #tpu.memory_space<vmem>>) dst(%dma_wait3A_320 : memref<984064xf32, #tpu.memory_space<vmem_shared>>)
    %dma_wait3A_321 = arith.constant 9 : i32
    %dma_wait3A_322 = arith.constant 1152 : i32
    %dma_wait3A_323 = tpu.memref_slice %arg7[%dma_wait3A_322] : memref<3584xf32, #tpu.memory_space<vmem>> -> memref<128xf32, #tpu.memory_space<vmem>>
    %dma_wait3A_324 = arith.constant 0 : i32
    %dma_wait3A_325 = tpu.memref_slice %arg8[%dma_wait3A_321, %dma_wait3A_324] : memref<28x128xi32, #tpu.memory_space<vmem>> -> memref<1x128xi32, #tpu.memory_space<vmem>>
    %dma_wait3A_326 = tpu.memref_squeeze %dma_wait3A_325 : memref<1x128xi32, #tpu.memory_space<vmem>> -> memref<128xi32, #tpu.memory_space<vmem>>
    %dma_wait3A_327 = arith.constant 0 : i32
    %dma_wait3A_328 = tpu.memref_slice %arg10[%dma_wait3A_327] : memref<984064xf32, #tpu.memory_space<vmem_shared>> -> memref<984064xf32, #tpu.memory_space<vmem_shared>>
    tpu.wait_indirect_dma semaphore(%arg13 : memref<!tpu.dma_semaphore, #tpu.memory_space<semaphore_mem>>) src(%dma_wait3A_323 : memref<128xf32, #tpu.memory_space<vmem>>) dst(%dma_wait3A_328 : memref<984064xf32, #tpu.memory_space<vmem_shared>>)
    %dma_wait3A_329 = arith.constant 10 : i32
    %dma_wait3A_330 = arith.constant 1280 : i32
    %dma_wait3A_331 = tpu.memref_slice %arg7[%dma_wait3A_330] : memref<3584xf32, #tpu.memory_space<vmem>> -> memref<128xf32, #tpu.memory_space<vmem>>
    %dma_wait3A_332 = arith.constant 0 : i32
    %dma_wait3A_333 = tpu.memref_slice %arg8[%dma_wait3A_329, %dma_wait3A_332] : memref<28x128xi32, #tpu.memory_space<vmem>> -> memref<1x128xi32, #tpu.memory_space<vmem>>
    %dma_wait3A_334 = tpu.memref_squeeze %dma_wait3A_333 : memref<1x128xi32, #tpu.memory_space<vmem>> -> memref<128xi32, #tpu.memory_space<vmem>>
    %dma_wait3A_335 = arith.constant 0 : i32
    %dma_wait3A_336 = tpu.memref_slice %arg10[%dma_wait3A_335] : memref<984064xf32, #tpu.memory_space<vmem_shared>> -> memref<984064xf32, #tpu.memory_space<vmem_shared>>
    tpu.wait_indirect_dma semaphore(%arg13 : memref<!tpu.dma_semaphore, #tpu.memory_space<semaphore_mem>>) src(%dma_wait3A_331 : memref<128xf32, #tpu.memory_space<vmem>>) dst(%dma_wait3A_336 : memref<984064xf32, #tpu.memory_space<vmem_shared>>)
    %dma_wait3A_337 = arith.constant 11 : i32
    %dma_wait3A_338 = arith.constant 1408 : i32
    %dma_wait3A_339 = tpu.memref_slice %arg7[%dma_wait3A_338] : memref<3584xf32, #tpu.memory_space<vmem>> -> memref<128xf32, #tpu.memory_space<vmem>>
    %dma_wait3A_340 = arith.constant 0 : i32
    %dma_wait3A_341 = tpu.memref_slice %arg8[%dma_wait3A_337, %dma_wait3A_340] : memref<28x128xi32, #tpu.memory_space<vmem>> -> memref<1x128xi32, #tpu.memory_space<vmem>>
    %dma_wait3A_342 = tpu.memref_squeeze %dma_wait3A_341 : memref<1x128xi32, #tpu.memory_space<vmem>> -> memref<128xi32, #tpu.memory_space<vmem>>
    %dma_wait3A_343 = arith.constant 0 : i32
    %dma_wait3A_344 = tpu.memref_slice %arg10[%dma_wait3A_343] : memref<984064xf32, #tpu.memory_space<vmem_shared>> -> memref<984064xf32, #tpu.memory_space<vmem_shared>>
    tpu.wait_indirect_dma semaphore(%arg13 : memref<!tpu.dma_semaphore, #tpu.memory_space<semaphore_mem>>) src(%dma_wait3A_339 : memref<128xf32, #tpu.memory_space<vmem>>) dst(%dma_wait3A_344 : memref<984064xf32, #tpu.memory_space<vmem_shared>>)
    %dma_wait3A_345 = arith.constant 12 : i32
    %dma_wait3A_346 = arith.constant 1536 : i32
    %dma_wait3A_347 = tpu.memref_slice %arg7[%dma_wait3A_346] : memref<3584xf32, #tpu.memory_space<vmem>> -> memref<128xf32, #tpu.memory_space<vmem>>
    %dma_wait3A_348 = arith.constant 0 : i32
    %dma_wait3A_349 = tpu.memref_slice %arg8[%dma_wait3A_345, %dma_wait3A_348] : memref<28x128xi32, #tpu.memory_space<vmem>> -> memref<1x128xi32, #tpu.memory_space<vmem>>
    %dma_wait3A_350 = tpu.memref_squeeze %dma_wait3A_349 : memref<1x128xi32, #tpu.memory_space<vmem>> -> memref<128xi32, #tpu.memory_space<vmem>>
    %dma_wait3A_351 = arith.constant 0 : i32
    %dma_wait3A_352 = tpu.memref_slice %arg10[%dma_wait3A_351] : memref<984064xf32, #tpu.memory_space<vmem_shared>> -> memref<984064xf32, #tpu.memory_space<vmem_shared>>
    tpu.wait_indirect_dma semaphore(%arg13 : memref<!tpu.dma_semaphore, #tpu.memory_space<semaphore_mem>>) src(%dma_wait3A_347 : memref<128xf32, #tpu.memory_space<vmem>>) dst(%dma_wait3A_352 : memref<984064xf32, #tpu.memory_space<vmem_shared>>)
    %dma_wait3A_353 = arith.constant 13 : i32
    %dma_wait3A_354 = arith.constant 1664 : i32
    %dma_wait3A_355 = tpu.memref_slice %arg7[%dma_wait3A_354] : memref<3584xf32, #tpu.memory_space<vmem>> -> memref<128xf32, #tpu.memory_space<vmem>>
    %dma_wait3A_356 = arith.constant 0 : i32
    %dma_wait3A_357 = tpu.memref_slice %arg8[%dma_wait3A_353, %dma_wait3A_356] : memref<28x128xi32, #tpu.memory_space<vmem>> -> memref<1x128xi32, #tpu.memory_space<vmem>>
    %dma_wait3A_358 = tpu.memref_squeeze %dma_wait3A_357 : memref<1x128xi32, #tpu.memory_space<vmem>> -> memref<128xi32, #tpu.memory_space<vmem>>
    %dma_wait3A_359 = arith.constant 0 : i32
    %dma_wait3A_360 = tpu.memref_slice %arg10[%dma_wait3A_359] : memref<984064xf32, #tpu.memory_space<vmem_shared>> -> memref<984064xf32, #tpu.memory_space<vmem_shared>>
    tpu.wait_indirect_dma semaphore(%arg13 : memref<!tpu.dma_semaphore, #tpu.memory_space<semaphore_mem>>) src(%dma_wait3A_355 : memref<128xf32, #tpu.memory_space<vmem>>) dst(%dma_wait3A_360 : memref<984064xf32, #tpu.memory_space<vmem_shared>>)
    %dma_start3A_361 = arith.constant 14 : i32
    %dma_start3A_362 = arith.constant 1792 : i32
    %dma_start3A_363 = tpu.memref_slice %arg7[%dma_start3A_362] : memref<3584xf32, #tpu.memory_space<vmem>> -> memref<128xf32, #tpu.memory_space<vmem>>
    %dma_start3A_364 = arith.constant 0 : i32
    %dma_start3A_365 = tpu.memref_slice %arg8[%dma_start3A_361, %dma_start3A_364] : memref<28x128xi32, #tpu.memory_space<vmem>> -> memref<1x128xi32, #tpu.memory_space<vmem>>
    %dma_start3A_366 = tpu.memref_squeeze %dma_start3A_365 : memref<1x128xi32, #tpu.memory_space<vmem>> -> memref<128xi32, #tpu.memory_space<vmem>>
    %dma_start3A_367 = arith.constant 0 : i32
    %dma_start3A_368 = tpu.memref_slice %arg10[%dma_start3A_367] : memref<984064xf32, #tpu.memory_space<vmem_shared>> -> memref<984064xf32, #tpu.memory_space<vmem_shared>>
    tpu.enqueue_indirect_dma source(%dma_start3A_363 : memref<128xf32, #tpu.memory_space<vmem>>) target(%dma_start3A_368 : memref<984064xf32, #tpu.memory_space<vmem_shared>>) offsets(%dma_start3A_366 : memref<128xi32, #tpu.memory_space<vmem>>) semaphore(%arg13 : memref<!tpu.dma_semaphore, #tpu.memory_space<semaphore_mem>>) {add = true}
    %dma_start3A_369 = arith.constant 15 : i32
    %dma_start3A_370 = arith.constant 1920 : i32
    %dma_start3A_371 = tpu.memref_slice %arg7[%dma_start3A_370] : memref<3584xf32, #tpu.memory_space<vmem>> -> memref<128xf32, #tpu.memory_space<vmem>>
    %dma_start3A_372 = arith.constant 0 : i32
    %dma_start3A_373 = tpu.memref_slice %arg8[%dma_start3A_369, %dma_start3A_372] : memref<28x128xi32, #tpu.memory_space<vmem>> -> memref<1x128xi32, #tpu.memory_space<vmem>>
    %dma_start3A_374 = tpu.memref_squeeze %dma_start3A_373 : memref<1x128xi32, #tpu.memory_space<vmem>> -> memref<128xi32, #tpu.memory_space<vmem>>
    %dma_start3A_375 = arith.constant 0 : i32
    %dma_start3A_376 = tpu.memref_slice %arg10[%dma_start3A_375] : memref<984064xf32, #tpu.memory_space<vmem_shared>> -> memref<984064xf32, #tpu.memory_space<vmem_shared>>
    tpu.enqueue_indirect_dma source(%dma_start3A_371 : memref<128xf32, #tpu.memory_space<vmem>>) target(%dma_start3A_376 : memref<984064xf32, #tpu.memory_space<vmem_shared>>) offsets(%dma_start3A_374 : memref<128xi32, #tpu.memory_space<vmem>>) semaphore(%arg13 : memref<!tpu.dma_semaphore, #tpu.memory_space<semaphore_mem>>) {add = true}
    %dma_start3A_377 = arith.constant 16 : i32
    %dma_start3A_378 = arith.constant 2048 : i32
    %dma_start3A_379 = tpu.memref_slice %arg7[%dma_start3A_378] : memref<3584xf32, #tpu.memory_space<vmem>> -> memref<128xf32, #tpu.memory_space<vmem>>
    %dma_start3A_380 = arith.constant 0 : i32
    %dma_start3A_381 = tpu.memref_slice %arg8[%dma_start3A_377, %dma_start3A_380] : memref<28x128xi32, #tpu.memory_space<vmem>> -> memref<1x128xi32, #tpu.memory_space<vmem>>
    %dma_start3A_382 = tpu.memref_squeeze %dma_start3A_381 : memref<1x128xi32, #tpu.memory_space<vmem>> -> memref<128xi32, #tpu.memory_space<vmem>>
    %dma_start3A_383 = arith.constant 0 : i32
    %dma_start3A_384 = tpu.memref_slice %arg10[%dma_start3A_383] : memref<984064xf32, #tpu.memory_space<vmem_shared>> -> memref<984064xf32, #tpu.memory_space<vmem_shared>>
    tpu.enqueue_indirect_dma source(%dma_start3A_379 : memref<128xf32, #tpu.memory_space<vmem>>) target(%dma_start3A_384 : memref<984064xf32, #tpu.memory_space<vmem_shared>>) offsets(%dma_start3A_382 : memref<128xi32, #tpu.memory_space<vmem>>) semaphore(%arg13 : memref<!tpu.dma_semaphore, #tpu.memory_space<semaphore_mem>>) {add = true}
    %dma_start3A_385 = arith.constant 17 : i32
    %dma_start3A_386 = arith.constant 2176 : i32
    %dma_start3A_387 = tpu.memref_slice %arg7[%dma_start3A_386] : memref<3584xf32, #tpu.memory_space<vmem>> -> memref<128xf32, #tpu.memory_space<vmem>>
    %dma_start3A_388 = arith.constant 0 : i32
    %dma_start3A_389 = tpu.memref_slice %arg8[%dma_start3A_385, %dma_start3A_388] : memref<28x128xi32, #tpu.memory_space<vmem>> -> memref<1x128xi32, #tpu.memory_space<vmem>>
    %dma_start3A_390 = tpu.memref_squeeze %dma_start3A_389 : memref<1x128xi32, #tpu.memory_space<vmem>> -> memref<128xi32, #tpu.memory_space<vmem>>
    %dma_start3A_391 = arith.constant 0 : i32
    %dma_start3A_392 = tpu.memref_slice %arg10[%dma_start3A_391] : memref<984064xf32, #tpu.memory_space<vmem_shared>> -> memref<984064xf32, #tpu.memory_space<vmem_shared>>
    tpu.enqueue_indirect_dma source(%dma_start3A_387 : memref<128xf32, #tpu.memory_space<vmem>>) target(%dma_start3A_392 : memref<984064xf32, #tpu.memory_space<vmem_shared>>) offsets(%dma_start3A_390 : memref<128xi32, #tpu.memory_space<vmem>>) semaphore(%arg13 : memref<!tpu.dma_semaphore, #tpu.memory_space<semaphore_mem>>) {add = true}
    %dma_start3A_393 = arith.constant 18 : i32
    %dma_start3A_394 = arith.constant 2304 : i32
    %dma_start3A_395 = tpu.memref_slice %arg7[%dma_start3A_394] : memref<3584xf32, #tpu.memory_space<vmem>> -> memref<128xf32, #tpu.memory_space<vmem>>
    %dma_start3A_396 = arith.constant 0 : i32
    %dma_start3A_397 = tpu.memref_slice %arg8[%dma_start3A_393, %dma_start3A_396] : memref<28x128xi32, #tpu.memory_space<vmem>> -> memref<1x128xi32, #tpu.memory_space<vmem>>
    %dma_start3A_398 = tpu.memref_squeeze %dma_start3A_397 : memref<1x128xi32, #tpu.memory_space<vmem>> -> memref<128xi32, #tpu.memory_space<vmem>>
    %dma_start3A_399 = arith.constant 0 : i32
    %dma_start3A_400 = tpu.memref_slice %arg10[%dma_start3A_399] : memref<984064xf32, #tpu.memory_space<vmem_shared>> -> memref<984064xf32, #tpu.memory_space<vmem_shared>>
    tpu.enqueue_indirect_dma source(%dma_start3A_395 : memref<128xf32, #tpu.memory_space<vmem>>) target(%dma_start3A_400 : memref<984064xf32, #tpu.memory_space<vmem_shared>>) offsets(%dma_start3A_398 : memref<128xi32, #tpu.memory_space<vmem>>) semaphore(%arg13 : memref<!tpu.dma_semaphore, #tpu.memory_space<semaphore_mem>>) {add = true}
    %dma_start3A_401 = arith.constant 19 : i32
    %dma_start3A_402 = arith.constant 2432 : i32
    %dma_start3A_403 = tpu.memref_slice %arg7[%dma_start3A_402] : memref<3584xf32, #tpu.memory_space<vmem>> -> memref<128xf32, #tpu.memory_space<vmem>>
    %dma_start3A_404 = arith.constant 0 : i32
    %dma_start3A_405 = tpu.memref_slice %arg8[%dma_start3A_401, %dma_start3A_404] : memref<28x128xi32, #tpu.memory_space<vmem>> -> memref<1x128xi32, #tpu.memory_space<vmem>>
    %dma_start3A_406 = tpu.memref_squeeze %dma_start3A_405 : memref<1x128xi32, #tpu.memory_space<vmem>> -> memref<128xi32, #tpu.memory_space<vmem>>
    %dma_start3A_407 = arith.constant 0 : i32
    %dma_start3A_408 = tpu.memref_slice %arg10[%dma_start3A_407] : memref<984064xf32, #tpu.memory_space<vmem_shared>> -> memref<984064xf32, #tpu.memory_space<vmem_shared>>
    tpu.enqueue_indirect_dma source(%dma_start3A_403 : memref<128xf32, #tpu.memory_space<vmem>>) target(%dma_start3A_408 : memref<984064xf32, #tpu.memory_space<vmem_shared>>) offsets(%dma_start3A_406 : memref<128xi32, #tpu.memory_space<vmem>>) semaphore(%arg13 : memref<!tpu.dma_semaphore, #tpu.memory_space<semaphore_mem>>) {add = true}
    %dma_start3A_409 = arith.constant 20 : i32
    %dma_start3A_410 = arith.constant 2560 : i32
    %dma_start3A_411 = tpu.memref_slice %arg7[%dma_start3A_410] : memref<3584xf32, #tpu.memory_space<vmem>> -> memref<128xf32, #tpu.memory_space<vmem>>
    %dma_start3A_412 = arith.constant 0 : i32
    %dma_start3A_413 = tpu.memref_slice %arg8[%dma_start3A_409, %dma_start3A_412] : memref<28x128xi32, #tpu.memory_space<vmem>> -> memref<1x128xi32, #tpu.memory_space<vmem>>
    %dma_start3A_414 = tpu.memref_squeeze %dma_start3A_413 : memref<1x128xi32, #tpu.memory_space<vmem>> -> memref<128xi32, #tpu.memory_space<vmem>>
    %dma_start3A_415 = arith.constant 0 : i32
    %dma_start3A_416 = tpu.memref_slice %arg10[%dma_start3A_415] : memref<984064xf32, #tpu.memory_space<vmem_shared>> -> memref<984064xf32, #tpu.memory_space<vmem_shared>>
    tpu.enqueue_indirect_dma source(%dma_start3A_411 : memref<128xf32, #tpu.memory_space<vmem>>) target(%dma_start3A_416 : memref<984064xf32, #tpu.memory_space<vmem_shared>>) offsets(%dma_start3A_414 : memref<128xi32, #tpu.memory_space<vmem>>) semaphore(%arg13 : memref<!tpu.dma_semaphore, #tpu.memory_space<semaphore_mem>>) {add = true}
    %dma_start3A_417 = arith.constant 21 : i32
    %dma_start3A_418 = arith.constant 2688 : i32
    %dma_start3A_419 = tpu.memref_slice %arg7[%dma_start3A_418] : memref<3584xf32, #tpu.memory_space<vmem>> -> memref<128xf32, #tpu.memory_space<vmem>>
    %dma_start3A_420 = arith.constant 0 : i32
    %dma_start3A_421 = tpu.memref_slice %arg8[%dma_start3A_417, %dma_start3A_420] : memref<28x128xi32, #tpu.memory_space<vmem>> -> memref<1x128xi32, #tpu.memory_space<vmem>>
    %dma_start3A_422 = tpu.memref_squeeze %dma_start3A_421 : memref<1x128xi32, #tpu.memory_space<vmem>> -> memref<128xi32, #tpu.memory_space<vmem>>
    %dma_start3A_423 = arith.constant 0 : i32
    %dma_start3A_424 = tpu.memref_slice %arg10[%dma_start3A_423] : memref<984064xf32, #tpu.memory_space<vmem_shared>> -> memref<984064xf32, #tpu.memory_space<vmem_shared>>
    tpu.enqueue_indirect_dma source(%dma_start3A_419 : memref<128xf32, #tpu.memory_space<vmem>>) target(%dma_start3A_424 : memref<984064xf32, #tpu.memory_space<vmem_shared>>) offsets(%dma_start3A_422 : memref<128xi32, #tpu.memory_space<vmem>>) semaphore(%arg13 : memref<!tpu.dma_semaphore, #tpu.memory_space<semaphore_mem>>) {add = true}
    %dma_start3A_425 = arith.constant 22 : i32
    %dma_start3A_426 = arith.constant 2816 : i32
    %dma_start3A_427 = tpu.memref_slice %arg7[%dma_start3A_426] : memref<3584xf32, #tpu.memory_space<vmem>> -> memref<128xf32, #tpu.memory_space<vmem>>
    %dma_start3A_428 = arith.constant 0 : i32
    %dma_start3A_429 = tpu.memref_slice %arg8[%dma_start3A_425, %dma_start3A_428] : memref<28x128xi32, #tpu.memory_space<vmem>> -> memref<1x128xi32, #tpu.memory_space<vmem>>
    %dma_start3A_430 = tpu.memref_squeeze %dma_start3A_429 : memref<1x128xi32, #tpu.memory_space<vmem>> -> memref<128xi32, #tpu.memory_space<vmem>>
    %dma_start3A_431 = arith.constant 0 : i32
    %dma_start3A_432 = tpu.memref_slice %arg10[%dma_start3A_431] : memref<984064xf32, #tpu.memory_space<vmem_shared>> -> memref<984064xf32, #tpu.memory_space<vmem_shared>>
    tpu.enqueue_indirect_dma source(%dma_start3A_427 : memref<128xf32, #tpu.memory_space<vmem>>) target(%dma_start3A_432 : memref<984064xf32, #tpu.memory_space<vmem_shared>>) offsets(%dma_start3A_430 : memref<128xi32, #tpu.memory_space<vmem>>) semaphore(%arg13 : memref<!tpu.dma_semaphore, #tpu.memory_space<semaphore_mem>>) {add = true}
    %dma_start3A_433 = arith.constant 23 : i32
    %dma_start3A_434 = arith.constant 2944 : i32
    %dma_start3A_435 = tpu.memref_slice %arg7[%dma_start3A_434] : memref<3584xf32, #tpu.memory_space<vmem>> -> memref<128xf32, #tpu.memory_space<vmem>>
    %dma_start3A_436 = arith.constant 0 : i32
    %dma_start3A_437 = tpu.memref_slice %arg8[%dma_start3A_433, %dma_start3A_436] : memref<28x128xi32, #tpu.memory_space<vmem>> -> memref<1x128xi32, #tpu.memory_space<vmem>>
    %dma_start3A_438 = tpu.memref_squeeze %dma_start3A_437 : memref<1x128xi32, #tpu.memory_space<vmem>> -> memref<128xi32, #tpu.memory_space<vmem>>
    %dma_start3A_439 = arith.constant 0 : i32
    %dma_start3A_440 = tpu.memref_slice %arg10[%dma_start3A_439] : memref<984064xf32, #tpu.memory_space<vmem_shared>> -> memref<984064xf32, #tpu.memory_space<vmem_shared>>
    tpu.enqueue_indirect_dma source(%dma_start3A_435 : memref<128xf32, #tpu.memory_space<vmem>>) target(%dma_start3A_440 : memref<984064xf32, #tpu.memory_space<vmem_shared>>) offsets(%dma_start3A_438 : memref<128xi32, #tpu.memory_space<vmem>>) semaphore(%arg13 : memref<!tpu.dma_semaphore, #tpu.memory_space<semaphore_mem>>) {add = true}
    %dma_start3A_441 = arith.constant 24 : i32
    %dma_start3A_442 = arith.constant 3072 : i32
    %dma_start3A_443 = tpu.memref_slice %arg7[%dma_start3A_442] : memref<3584xf32, #tpu.memory_space<vmem>> -> memref<128xf32, #tpu.memory_space<vmem>>
    %dma_start3A_444 = arith.constant 0 : i32
    %dma_start3A_445 = tpu.memref_slice %arg8[%dma_start3A_441, %dma_start3A_444] : memref<28x128xi32, #tpu.memory_space<vmem>> -> memref<1x128xi32, #tpu.memory_space<vmem>>
    %dma_start3A_446 = tpu.memref_squeeze %dma_start3A_445 : memref<1x128xi32, #tpu.memory_space<vmem>> -> memref<128xi32, #tpu.memory_space<vmem>>
    %dma_start3A_447 = arith.constant 0 : i32
    %dma_start3A_448 = tpu.memref_slice %arg10[%dma_start3A_447] : memref<984064xf32, #tpu.memory_space<vmem_shared>> -> memref<984064xf32, #tpu.memory_space<vmem_shared>>
    tpu.enqueue_indirect_dma source(%dma_start3A_443 : memref<128xf32, #tpu.memory_space<vmem>>) target(%dma_start3A_448 : memref<984064xf32, #tpu.memory_space<vmem_shared>>) offsets(%dma_start3A_446 : memref<128xi32, #tpu.memory_space<vmem>>) semaphore(%arg13 : memref<!tpu.dma_semaphore, #tpu.memory_space<semaphore_mem>>) {add = true}
    %dma_start3A_449 = arith.constant 25 : i32
    %dma_start3A_450 = arith.constant 3200 : i32
    %dma_start3A_451 = tpu.memref_slice %arg7[%dma_start3A_450] : memref<3584xf32, #tpu.memory_space<vmem>> -> memref<128xf32, #tpu.memory_space<vmem>>
    %dma_start3A_452 = arith.constant 0 : i32
    %dma_start3A_453 = tpu.memref_slice %arg8[%dma_start3A_449, %dma_start3A_452] : memref<28x128xi32, #tpu.memory_space<vmem>> -> memref<1x128xi32, #tpu.memory_space<vmem>>
    %dma_start3A_454 = tpu.memref_squeeze %dma_start3A_453 : memref<1x128xi32, #tpu.memory_space<vmem>> -> memref<128xi32, #tpu.memory_space<vmem>>
    %dma_start3A_455 = arith.constant 0 : i32
    %dma_start3A_456 = tpu.memref_slice %arg10[%dma_start3A_455] : memref<984064xf32, #tpu.memory_space<vmem_shared>> -> memref<984064xf32, #tpu.memory_space<vmem_shared>>
    tpu.enqueue_indirect_dma source(%dma_start3A_451 : memref<128xf32, #tpu.memory_space<vmem>>) target(%dma_start3A_456 : memref<984064xf32, #tpu.memory_space<vmem_shared>>) offsets(%dma_start3A_454 : memref<128xi32, #tpu.memory_space<vmem>>) semaphore(%arg13 : memref<!tpu.dma_semaphore, #tpu.memory_space<semaphore_mem>>) {add = true}
    %dma_start3A_457 = arith.constant 26 : i32
    %dma_start3A_458 = arith.constant 3328 : i32
    %dma_start3A_459 = tpu.memref_slice %arg7[%dma_start3A_458] : memref<3584xf32, #tpu.memory_space<vmem>> -> memref<128xf32, #tpu.memory_space<vmem>>
    %dma_start3A_460 = arith.constant 0 : i32
    %dma_start3A_461 = tpu.memref_slice %arg8[%dma_start3A_457, %dma_start3A_460] : memref<28x128xi32, #tpu.memory_space<vmem>> -> memref<1x128xi32, #tpu.memory_space<vmem>>
    %dma_start3A_462 = tpu.memref_squeeze %dma_start3A_461 : memref<1x128xi32, #tpu.memory_space<vmem>> -> memref<128xi32, #tpu.memory_space<vmem>>
    %dma_start3A_463 = arith.constant 0 : i32
    %dma_start3A_464 = tpu.memref_slice %arg10[%dma_start3A_463] : memref<984064xf32, #tpu.memory_space<vmem_shared>> -> memref<984064xf32, #tpu.memory_space<vmem_shared>>
    tpu.enqueue_indirect_dma source(%dma_start3A_459 : memref<128xf32, #tpu.memory_space<vmem>>) target(%dma_start3A_464 : memref<984064xf32, #tpu.memory_space<vmem_shared>>) offsets(%dma_start3A_462 : memref<128xi32, #tpu.memory_space<vmem>>) semaphore(%arg13 : memref<!tpu.dma_semaphore, #tpu.memory_space<semaphore_mem>>) {add = true}
    %dma_start3A_465 = arith.constant 27 : i32
    %dma_start3A_466 = arith.constant 3456 : i32
    %dma_start3A_467 = tpu.memref_slice %arg7[%dma_start3A_466] : memref<3584xf32, #tpu.memory_space<vmem>> -> memref<128xf32, #tpu.memory_space<vmem>>
    %dma_start3A_468 = arith.constant 0 : i32
    %dma_start3A_469 = tpu.memref_slice %arg8[%dma_start3A_465, %dma_start3A_468] : memref<28x128xi32, #tpu.memory_space<vmem>> -> memref<1x128xi32, #tpu.memory_space<vmem>>
    %dma_start3A_470 = tpu.memref_squeeze %dma_start3A_469 : memref<1x128xi32, #tpu.memory_space<vmem>> -> memref<128xi32, #tpu.memory_space<vmem>>
    %dma_start3A_471 = arith.constant 0 : i32
    %dma_start3A_472 = tpu.memref_slice %arg10[%dma_start3A_471] : memref<984064xf32, #tpu.memory_space<vmem_shared>> -> memref<984064xf32, #tpu.memory_space<vmem_shared>>
    tpu.enqueue_indirect_dma source(%dma_start3A_467 : memref<128xf32, #tpu.memory_space<vmem>>) target(%dma_start3A_472 : memref<984064xf32, #tpu.memory_space<vmem_shared>>) offsets(%dma_start3A_470 : memref<128xi32, #tpu.memory_space<vmem>>) semaphore(%arg13 : memref<!tpu.dma_semaphore, #tpu.memory_space<semaphore_mem>>) {add = true}
    %dma_wait3A_473 = arith.constant 14 : i32
    %dma_wait3A_474 = arith.constant 1792 : i32
    %dma_wait3A_475 = tpu.memref_slice %arg7[%dma_wait3A_474] : memref<3584xf32, #tpu.memory_space<vmem>> -> memref<128xf32, #tpu.memory_space<vmem>>
    %dma_wait3A_476 = arith.constant 0 : i32
    %dma_wait3A_477 = tpu.memref_slice %arg8[%dma_wait3A_473, %dma_wait3A_476] : memref<28x128xi32, #tpu.memory_space<vmem>> -> memref<1x128xi32, #tpu.memory_space<vmem>>
    %dma_wait3A_478 = tpu.memref_squeeze %dma_wait3A_477 : memref<1x128xi32, #tpu.memory_space<vmem>> -> memref<128xi32, #tpu.memory_space<vmem>>
    %dma_wait3A_479 = arith.constant 0 : i32
    %dma_wait3A_480 = tpu.memref_slice %arg10[%dma_wait3A_479] : memref<984064xf32, #tpu.memory_space<vmem_shared>> -> memref<984064xf32, #tpu.memory_space<vmem_shared>>
    tpu.wait_indirect_dma semaphore(%arg13 : memref<!tpu.dma_semaphore, #tpu.memory_space<semaphore_mem>>) src(%dma_wait3A_475 : memref<128xf32, #tpu.memory_space<vmem>>) dst(%dma_wait3A_480 : memref<984064xf32, #tpu.memory_space<vmem_shared>>)
    %dma_wait3A_481 = arith.constant 15 : i32
    %dma_wait3A_482 = arith.constant 1920 : i32
    %dma_wait3A_483 = tpu.memref_slice %arg7[%dma_wait3A_482] : memref<3584xf32, #tpu.memory_space<vmem>> -> memref<128xf32, #tpu.memory_space<vmem>>
    %dma_wait3A_484 = arith.constant 0 : i32
    %dma_wait3A_485 = tpu.memref_slice %arg8[%dma_wait3A_481, %dma_wait3A_484] : memref<28x128xi32, #tpu.memory_space<vmem>> -> memref<1x128xi32, #tpu.memory_space<vmem>>
    %dma_wait3A_486 = tpu.memref_squeeze %dma_wait3A_485 : memref<1x128xi32, #tpu.memory_space<vmem>> -> memref<128xi32, #tpu.memory_space<vmem>>
    %dma_wait3A_487 = arith.constant 0 : i32
    %dma_wait3A_488 = tpu.memref_slice %arg10[%dma_wait3A_487] : memref<984064xf32, #tpu.memory_space<vmem_shared>> -> memref<984064xf32, #tpu.memory_space<vmem_shared>>
    tpu.wait_indirect_dma semaphore(%arg13 : memref<!tpu.dma_semaphore, #tpu.memory_space<semaphore_mem>>) src(%dma_wait3A_483 : memref<128xf32, #tpu.memory_space<vmem>>) dst(%dma_wait3A_488 : memref<984064xf32, #tpu.memory_space<vmem_shared>>)
    %dma_wait3A_489 = arith.constant 16 : i32
    %dma_wait3A_490 = arith.constant 2048 : i32
    %dma_wait3A_491 = tpu.memref_slice %arg7[%dma_wait3A_490] : memref<3584xf32, #tpu.memory_space<vmem>> -> memref<128xf32, #tpu.memory_space<vmem>>
    %dma_wait3A_492 = arith.constant 0 : i32
    %dma_wait3A_493 = tpu.memref_slice %arg8[%dma_wait3A_489, %dma_wait3A_492] : memref<28x128xi32, #tpu.memory_space<vmem>> -> memref<1x128xi32, #tpu.memory_space<vmem>>
    %dma_wait3A_494 = tpu.memref_squeeze %dma_wait3A_493 : memref<1x128xi32, #tpu.memory_space<vmem>> -> memref<128xi32, #tpu.memory_space<vmem>>
    %dma_wait3A_495 = arith.constant 0 : i32
    %dma_wait3A_496 = tpu.memref_slice %arg10[%dma_wait3A_495] : memref<984064xf32, #tpu.memory_space<vmem_shared>> -> memref<984064xf32, #tpu.memory_space<vmem_shared>>
    tpu.wait_indirect_dma semaphore(%arg13 : memref<!tpu.dma_semaphore, #tpu.memory_space<semaphore_mem>>) src(%dma_wait3A_491 : memref<128xf32, #tpu.memory_space<vmem>>) dst(%dma_wait3A_496 : memref<984064xf32, #tpu.memory_space<vmem_shared>>)
    %dma_wait3A_497 = arith.constant 17 : i32
    %dma_wait3A_498 = arith.constant 2176 : i32
    %dma_wait3A_499 = tpu.memref_slice %arg7[%dma_wait3A_498] : memref<3584xf32, #tpu.memory_space<vmem>> -> memref<128xf32, #tpu.memory_space<vmem>>
    %dma_wait3A_500 = arith.constant 0 : i32
    %dma_wait3A_501 = tpu.memref_slice %arg8[%dma_wait3A_497, %dma_wait3A_500] : memref<28x128xi32, #tpu.memory_space<vmem>> -> memref<1x128xi32, #tpu.memory_space<vmem>>
    %dma_wait3A_502 = tpu.memref_squeeze %dma_wait3A_501 : memref<1x128xi32, #tpu.memory_space<vmem>> -> memref<128xi32, #tpu.memory_space<vmem>>
    %dma_wait3A_503 = arith.constant 0 : i32
    %dma_wait3A_504 = tpu.memref_slice %arg10[%dma_wait3A_503] : memref<984064xf32, #tpu.memory_space<vmem_shared>> -> memref<984064xf32, #tpu.memory_space<vmem_shared>>
    tpu.wait_indirect_dma semaphore(%arg13 : memref<!tpu.dma_semaphore, #tpu.memory_space<semaphore_mem>>) src(%dma_wait3A_499 : memref<128xf32, #tpu.memory_space<vmem>>) dst(%dma_wait3A_504 : memref<984064xf32, #tpu.memory_space<vmem_shared>>)
    %dma_wait3A_505 = arith.constant 18 : i32
    %dma_wait3A_506 = arith.constant 2304 : i32
    %dma_wait3A_507 = tpu.memref_slice %arg7[%dma_wait3A_506] : memref<3584xf32, #tpu.memory_space<vmem>> -> memref<128xf32, #tpu.memory_space<vmem>>
    %dma_wait3A_508 = arith.constant 0 : i32
    %dma_wait3A_509 = tpu.memref_slice %arg8[%dma_wait3A_505, %dma_wait3A_508] : memref<28x128xi32, #tpu.memory_space<vmem>> -> memref<1x128xi32, #tpu.memory_space<vmem>>
    %dma_wait3A_510 = tpu.memref_squeeze %dma_wait3A_509 : memref<1x128xi32, #tpu.memory_space<vmem>> -> memref<128xi32, #tpu.memory_space<vmem>>
    %dma_wait3A_511 = arith.constant 0 : i32
    %dma_wait3A_512 = tpu.memref_slice %arg10[%dma_wait3A_511] : memref<984064xf32, #tpu.memory_space<vmem_shared>> -> memref<984064xf32, #tpu.memory_space<vmem_shared>>
    tpu.wait_indirect_dma semaphore(%arg13 : memref<!tpu.dma_semaphore, #tpu.memory_space<semaphore_mem>>) src(%dma_wait3A_507 : memref<128xf32, #tpu.memory_space<vmem>>) dst(%dma_wait3A_512 : memref<984064xf32, #tpu.memory_space<vmem_shared>>)
    %dma_wait3A_513 = arith.constant 19 : i32
    %dma_wait3A_514 = arith.constant 2432 : i32
    %dma_wait3A_515 = tpu.memref_slice %arg7[%dma_wait3A_514] : memref<3584xf32, #tpu.memory_space<vmem>> -> memref<128xf32, #tpu.memory_space<vmem>>
    %dma_wait3A_516 = arith.constant 0 : i32
    %dma_wait3A_517 = tpu.memref_slice %arg8[%dma_wait3A_513, %dma_wait3A_516] : memref<28x128xi32, #tpu.memory_space<vmem>> -> memref<1x128xi32, #tpu.memory_space<vmem>>
    %dma_wait3A_518 = tpu.memref_squeeze %dma_wait3A_517 : memref<1x128xi32, #tpu.memory_space<vmem>> -> memref<128xi32, #tpu.memory_space<vmem>>
    %dma_wait3A_519 = arith.constant 0 : i32
    %dma_wait3A_520 = tpu.memref_slice %arg10[%dma_wait3A_519] : memref<984064xf32, #tpu.memory_space<vmem_shared>> -> memref<984064xf32, #tpu.memory_space<vmem_shared>>
    tpu.wait_indirect_dma semaphore(%arg13 : memref<!tpu.dma_semaphore, #tpu.memory_space<semaphore_mem>>) src(%dma_wait3A_515 : memref<128xf32, #tpu.memory_space<vmem>>) dst(%dma_wait3A_520 : memref<984064xf32, #tpu.memory_space<vmem_shared>>)
    %dma_wait3A_521 = arith.constant 20 : i32
    %dma_wait3A_522 = arith.constant 2560 : i32
    %dma_wait3A_523 = tpu.memref_slice %arg7[%dma_wait3A_522] : memref<3584xf32, #tpu.memory_space<vmem>> -> memref<128xf32, #tpu.memory_space<vmem>>
    %dma_wait3A_524 = arith.constant 0 : i32
    %dma_wait3A_525 = tpu.memref_slice %arg8[%dma_wait3A_521, %dma_wait3A_524] : memref<28x128xi32, #tpu.memory_space<vmem>> -> memref<1x128xi32, #tpu.memory_space<vmem>>
    %dma_wait3A_526 = tpu.memref_squeeze %dma_wait3A_525 : memref<1x128xi32, #tpu.memory_space<vmem>> -> memref<128xi32, #tpu.memory_space<vmem>>
    %dma_wait3A_527 = arith.constant 0 : i32
    %dma_wait3A_528 = tpu.memref_slice %arg10[%dma_wait3A_527] : memref<984064xf32, #tpu.memory_space<vmem_shared>> -> memref<984064xf32, #tpu.memory_space<vmem_shared>>
    tpu.wait_indirect_dma semaphore(%arg13 : memref<!tpu.dma_semaphore, #tpu.memory_space<semaphore_mem>>) src(%dma_wait3A_523 : memref<128xf32, #tpu.memory_space<vmem>>) dst(%dma_wait3A_528 : memref<984064xf32, #tpu.memory_space<vmem_shared>>)
    %dma_wait3A_529 = arith.constant 21 : i32
    %dma_wait3A_530 = arith.constant 2688 : i32
    %dma_wait3A_531 = tpu.memref_slice %arg7[%dma_wait3A_530] : memref<3584xf32, #tpu.memory_space<vmem>> -> memref<128xf32, #tpu.memory_space<vmem>>
    %dma_wait3A_532 = arith.constant 0 : i32
    %dma_wait3A_533 = tpu.memref_slice %arg8[%dma_wait3A_529, %dma_wait3A_532] : memref<28x128xi32, #tpu.memory_space<vmem>> -> memref<1x128xi32, #tpu.memory_space<vmem>>
    %dma_wait3A_534 = tpu.memref_squeeze %dma_wait3A_533 : memref<1x128xi32, #tpu.memory_space<vmem>> -> memref<128xi32, #tpu.memory_space<vmem>>
    %dma_wait3A_535 = arith.constant 0 : i32
    %dma_wait3A_536 = tpu.memref_slice %arg10[%dma_wait3A_535] : memref<984064xf32, #tpu.memory_space<vmem_shared>> -> memref<984064xf32, #tpu.memory_space<vmem_shared>>
    tpu.wait_indirect_dma semaphore(%arg13 : memref<!tpu.dma_semaphore, #tpu.memory_space<semaphore_mem>>) src(%dma_wait3A_531 : memref<128xf32, #tpu.memory_space<vmem>>) dst(%dma_wait3A_536 : memref<984064xf32, #tpu.memory_space<vmem_shared>>)
    %dma_wait3A_537 = arith.constant 22 : i32
    %dma_wait3A_538 = arith.constant 2816 : i32
    %dma_wait3A_539 = tpu.memref_slice %arg7[%dma_wait3A_538] : memref<3584xf32, #tpu.memory_space<vmem>> -> memref<128xf32, #tpu.memory_space<vmem>>
    %dma_wait3A_540 = arith.constant 0 : i32
    %dma_wait3A_541 = tpu.memref_slice %arg8[%dma_wait3A_537, %dma_wait3A_540] : memref<28x128xi32, #tpu.memory_space<vmem>> -> memref<1x128xi32, #tpu.memory_space<vmem>>
    %dma_wait3A_542 = tpu.memref_squeeze %dma_wait3A_541 : memref<1x128xi32, #tpu.memory_space<vmem>> -> memref<128xi32, #tpu.memory_space<vmem>>
    %dma_wait3A_543 = arith.constant 0 : i32
    %dma_wait3A_544 = tpu.memref_slice %arg10[%dma_wait3A_543] : memref<984064xf32, #tpu.memory_space<vmem_shared>> -> memref<984064xf32, #tpu.memory_space<vmem_shared>>
    tpu.wait_indirect_dma semaphore(%arg13 : memref<!tpu.dma_semaphore, #tpu.memory_space<semaphore_mem>>) src(%dma_wait3A_539 : memref<128xf32, #tpu.memory_space<vmem>>) dst(%dma_wait3A_544 : memref<984064xf32, #tpu.memory_space<vmem_shared>>)
    %dma_wait3A_545 = arith.constant 23 : i32
    %dma_wait3A_546 = arith.constant 2944 : i32
    %dma_wait3A_547 = tpu.memref_slice %arg7[%dma_wait3A_546] : memref<3584xf32, #tpu.memory_space<vmem>> -> memref<128xf32, #tpu.memory_space<vmem>>
    %dma_wait3A_548 = arith.constant 0 : i32
    %dma_wait3A_549 = tpu.memref_slice %arg8[%dma_wait3A_545, %dma_wait3A_548] : memref<28x128xi32, #tpu.memory_space<vmem>> -> memref<1x128xi32, #tpu.memory_space<vmem>>
    %dma_wait3A_550 = tpu.memref_squeeze %dma_wait3A_549 : memref<1x128xi32, #tpu.memory_space<vmem>> -> memref<128xi32, #tpu.memory_space<vmem>>
    %dma_wait3A_551 = arith.constant 0 : i32
    %dma_wait3A_552 = tpu.memref_slice %arg10[%dma_wait3A_551] : memref<984064xf32, #tpu.memory_space<vmem_shared>> -> memref<984064xf32, #tpu.memory_space<vmem_shared>>
    tpu.wait_indirect_dma semaphore(%arg13 : memref<!tpu.dma_semaphore, #tpu.memory_space<semaphore_mem>>) src(%dma_wait3A_547 : memref<128xf32, #tpu.memory_space<vmem>>) dst(%dma_wait3A_552 : memref<984064xf32, #tpu.memory_space<vmem_shared>>)
    %dma_wait3A_553 = arith.constant 24 : i32
    %dma_wait3A_554 = arith.constant 3072 : i32
    %dma_wait3A_555 = tpu.memref_slice %arg7[%dma_wait3A_554] : memref<3584xf32, #tpu.memory_space<vmem>> -> memref<128xf32, #tpu.memory_space<vmem>>
    %dma_wait3A_556 = arith.constant 0 : i32
    %dma_wait3A_557 = tpu.memref_slice %arg8[%dma_wait3A_553, %dma_wait3A_556] : memref<28x128xi32, #tpu.memory_space<vmem>> -> memref<1x128xi32, #tpu.memory_space<vmem>>
    %dma_wait3A_558 = tpu.memref_squeeze %dma_wait3A_557 : memref<1x128xi32, #tpu.memory_space<vmem>> -> memref<128xi32, #tpu.memory_space<vmem>>
    %dma_wait3A_559 = arith.constant 0 : i32
    %dma_wait3A_560 = tpu.memref_slice %arg10[%dma_wait3A_559] : memref<984064xf32, #tpu.memory_space<vmem_shared>> -> memref<984064xf32, #tpu.memory_space<vmem_shared>>
    tpu.wait_indirect_dma semaphore(%arg13 : memref<!tpu.dma_semaphore, #tpu.memory_space<semaphore_mem>>) src(%dma_wait3A_555 : memref<128xf32, #tpu.memory_space<vmem>>) dst(%dma_wait3A_560 : memref<984064xf32, #tpu.memory_space<vmem_shared>>)
    %dma_wait3A_561 = arith.constant 25 : i32
    %dma_wait3A_562 = arith.constant 3200 : i32
    %dma_wait3A_563 = tpu.memref_slice %arg7[%dma_wait3A_562] : memref<3584xf32, #tpu.memory_space<vmem>> -> memref<128xf32, #tpu.memory_space<vmem>>
    %dma_wait3A_564 = arith.constant 0 : i32
    %dma_wait3A_565 = tpu.memref_slice %arg8[%dma_wait3A_561, %dma_wait3A_564] : memref<28x128xi32, #tpu.memory_space<vmem>> -> memref<1x128xi32, #tpu.memory_space<vmem>>
    %dma_wait3A_566 = tpu.memref_squeeze %dma_wait3A_565 : memref<1x128xi32, #tpu.memory_space<vmem>> -> memref<128xi32, #tpu.memory_space<vmem>>
    %dma_wait3A_567 = arith.constant 0 : i32
    %dma_wait3A_568 = tpu.memref_slice %arg10[%dma_wait3A_567] : memref<984064xf32, #tpu.memory_space<vmem_shared>> -> memref<984064xf32, #tpu.memory_space<vmem_shared>>
    tpu.wait_indirect_dma semaphore(%arg13 : memref<!tpu.dma_semaphore, #tpu.memory_space<semaphore_mem>>) src(%dma_wait3A_563 : memref<128xf32, #tpu.memory_space<vmem>>) dst(%dma_wait3A_568 : memref<984064xf32, #tpu.memory_space<vmem_shared>>)
    %dma_wait3A_569 = arith.constant 26 : i32
    %dma_wait3A_570 = arith.constant 3328 : i32
    %dma_wait3A_571 = tpu.memref_slice %arg7[%dma_wait3A_570] : memref<3584xf32, #tpu.memory_space<vmem>> -> memref<128xf32, #tpu.memory_space<vmem>>
    %dma_wait3A_572 = arith.constant 0 : i32
    %dma_wait3A_573 = tpu.memref_slice %arg8[%dma_wait3A_569, %dma_wait3A_572] : memref<28x128xi32, #tpu.memory_space<vmem>> -> memref<1x128xi32, #tpu.memory_space<vmem>>
    %dma_wait3A_574 = tpu.memref_squeeze %dma_wait3A_573 : memref<1x128xi32, #tpu.memory_space<vmem>> -> memref<128xi32, #tpu.memory_space<vmem>>
    %dma_wait3A_575 = arith.constant 0 : i32
    %dma_wait3A_576 = tpu.memref_slice %arg10[%dma_wait3A_575] : memref<984064xf32, #tpu.memory_space<vmem_shared>> -> memref<984064xf32, #tpu.memory_space<vmem_shared>>
    tpu.wait_indirect_dma semaphore(%arg13 : memref<!tpu.dma_semaphore, #tpu.memory_space<semaphore_mem>>) src(%dma_wait3A_571 : memref<128xf32, #tpu.memory_space<vmem>>) dst(%dma_wait3A_576 : memref<984064xf32, #tpu.memory_space<vmem_shared>>)
    %dma_wait3A_577 = arith.constant 27 : i32
    %dma_wait3A_578 = arith.constant 3456 : i32
    %dma_wait3A_579 = tpu.memref_slice %arg7[%dma_wait3A_578] : memref<3584xf32, #tpu.memory_space<vmem>> -> memref<128xf32, #tpu.memory_space<vmem>>
    %dma_wait3A_580 = arith.constant 0 : i32
    %dma_wait3A_581 = tpu.memref_slice %arg8[%dma_wait3A_577, %dma_wait3A_580] : memref<28x128xi32, #tpu.memory_space<vmem>> -> memref<1x128xi32, #tpu.memory_space<vmem>>
    %dma_wait3A_582 = tpu.memref_squeeze %dma_wait3A_581 : memref<1x128xi32, #tpu.memory_space<vmem>> -> memref<128xi32, #tpu.memory_space<vmem>>
    %dma_wait3A_583 = arith.constant 0 : i32
    %dma_wait3A_584 = tpu.memref_slice %arg10[%dma_wait3A_583] : memref<984064xf32, #tpu.memory_space<vmem_shared>> -> memref<984064xf32, #tpu.memory_space<vmem_shared>>
    tpu.wait_indirect_dma semaphore(%arg13 : memref<!tpu.dma_semaphore, #tpu.memory_space<semaphore_mem>>) src(%dma_wait3A_579 : memref<128xf32, #tpu.memory_space<vmem>>) dst(%dma_wait3A_584 : memref<984064xf32, #tpu.memory_space<vmem_shared>>)
    %barrier3A_585 = arith.constant 0 : index
    tpu.barrier barrier_id(%barrier3A_585)
    %eq3A_586 = arith.constant 0 : i32
    %eq3A_587 = arith.cmpi eq, %arg0, %eq3A_586 : i32
    %convert_element_type3A = arith.extui %eq3A_587 : i1 to i32
    %cond3A = arith.constant 0 : i32
    %cond3A_588 = arith.cmpi ne, %convert_element_type3A, %cond3A : i32
    scf.if %cond3A_588 {
      %mul3A_594 = arith.constant 61440 : i32
      %mul3A_595 = arith.muli %arg1, %mul3A_594 : i32
      %mul3A_596 = arith.constant 61440 : i32
      %mul3A_597 = arith.muli %arg1, %mul3A_596 : i32
      "tpu.region"() ({
        %run_scoped3A = tpu.sem_alloc : memref<!tpu.dma_semaphore, #tpu.memory_space<semaphore_mem>>
        %dma_start3A_598 = tpu.memref_slice %arg4[%mul3A_597] : memref<1949696xf32, #tpu.memory_space<hbm>> -> memref<61440xf32, #tpu.memory_space<hbm>>
        %dma_start3A_599 = tpu.memref_slice %arg10[%mul3A_595] : memref<984064xf32, #tpu.memory_space<vmem_shared>> -> memref<61440xf32, #tpu.memory_space<vmem_shared>>
        tpu.enqueue_dma source(%dma_start3A_599 : memref<61440xf32, #tpu.memory_space<vmem_shared>>) target(%dma_start3A_598 : memref<61440xf32, #tpu.memory_space<hbm>>) target_semaphore(%run_scoped3A : memref<!tpu.dma_semaphore, #tpu.memory_space<semaphore_mem>>)
        %dma_wait3A_600 = tpu.memref_slice %arg4[%mul3A_597] : memref<1949696xf32, #tpu.memory_space<hbm>> -> memref<61440xf32, #tpu.memory_space<hbm>>
        %dma_wait3A_601 = tpu.memref_slice %arg10[%mul3A_595] : memref<984064xf32, #tpu.memory_space<vmem_shared>> -> memref<61440xf32, #tpu.memory_space<vmem_shared>>
        tpu.wait_dma2 semaphore(%run_scoped3A : memref<!tpu.dma_semaphore, #tpu.memory_space<semaphore_mem>>) src(%dma_wait3A_601 : memref<61440xf32, #tpu.memory_space<vmem_shared>>) dst(%dma_wait3A_600 : memref<61440xf32, #tpu.memory_space<hbm>>)
        tpu.yield
      }) : () -> ()
    } else {
    }
    %eq3A_589 = arith.constant 1 : i32
    %eq3A_590 = arith.cmpi eq, %arg0, %eq3A_589 : i32
    %convert_element_type3A_591 = arith.extui %eq3A_590 : i1 to i32
    %cond3A_592 = arith.constant 0 : i32
    %cond3A_593 = arith.cmpi ne, %convert_element_type3A_591, %cond3A_592 : i32
    scf.if %cond3A_593 {
      %mul3A_594 = arith.constant 60416 : i32
      %mul3A_595 = arith.muli %arg1, %mul3A_594 : i32
      %mul3A_596 = arith.constant 60416 : i32
      %mul3A_597 = arith.muli %arg1, %mul3A_596 : i32
      %add3A_598 = arith.constant 983040 : i32
      %add3A_599 = arith.addi %add3A_598, %mul3A_597 : i32
      "tpu.region"() ({
        %run_scoped3A = tpu.sem_alloc : memref<!tpu.dma_semaphore, #tpu.memory_space<semaphore_mem>>
        %dma_start3A_600 = tpu.memref_slice %arg4[%add3A_599] : memref<1949696xf32, #tpu.memory_space<hbm>> -> memref<60416xf32, #tpu.memory_space<hbm>>
        %dma_start3A_601 = tpu.memref_slice %arg10[%mul3A_595] : memref<984064xf32, #tpu.memory_space<vmem_shared>> -> memref<60416xf32, #tpu.memory_space<vmem_shared>>
        tpu.enqueue_dma source(%dma_start3A_601 : memref<60416xf32, #tpu.memory_space<vmem_shared>>) target(%dma_start3A_600 : memref<60416xf32, #tpu.memory_space<hbm>>) target_semaphore(%run_scoped3A : memref<!tpu.dma_semaphore, #tpu.memory_space<semaphore_mem>>)
        %dma_wait3A_602 = tpu.memref_slice %arg4[%add3A_599] : memref<1949696xf32, #tpu.memory_space<hbm>> -> memref<60416xf32, #tpu.memory_space<hbm>>
        %dma_wait3A_603 = tpu.memref_slice %arg10[%mul3A_595] : memref<984064xf32, #tpu.memory_space<vmem_shared>> -> memref<60416xf32, #tpu.memory_space<vmem_shared>>
        tpu.wait_dma2 semaphore(%run_scoped3A : memref<!tpu.dma_semaphore, #tpu.memory_space<semaphore_mem>>) src(%dma_wait3A_603 : memref<60416xf32, #tpu.memory_space<vmem_shared>>) dst(%dma_wait3A_602 : memref<60416xf32, #tpu.memory_space<hbm>>)
        tpu.yield
      }) : () -> ()
    } else {
    }
    return
  }
}

module attributes {stable_mosaic.version = 14 : i64} {
  func.func @_tc_scan_body(%arg0: memref<512x256xf32, #tpu.memory_space<vmem>>, %arg1: memref<15232x128xf32, #tpu.memory_space<hbm>>, %arg2: memref<2048xf32, #tpu.memory_space<vmem>>, %arg3: memref<512x256xf32, #tpu.memory_space<vmem>>, %arg4: memref<512x2048xbf16, #tpu.memory_space<vmem>>, %arg5: memref<256x128xf32, #tpu.memory_space<vmem>>, %arg6: memref<384x128xf32, #tpu.memory_space<vmem>>, %arg7: memref<512x128xf32, #tpu.memory_space<vmem>>, %arg8: memref<640x128xf32, #tpu.memory_space<vmem>>, %arg9: memref<768x128xf32, #tpu.memory_space<vmem>>, %arg10: memref<896x128xf32, #tpu.memory_space<vmem>>, %arg11: memref<1024x128xf32, #tpu.memory_space<vmem>>, %arg12: memref<1152x128xf32, #tpu.memory_space<vmem>>, %arg13: memref<1280x128xf32, #tpu.memory_space<vmem>>, %arg14: memref<1408x128xf32, #tpu.memory_space<vmem>>, %arg15: memref<1536x128xf32, #tpu.memory_space<vmem>>, %arg16: memref<1664x128xf32, #tpu.memory_space<vmem>>, %arg17: memref<1792x128xf32, #tpu.memory_space<vmem>>, %arg18: memref<1920x128xf32, #tpu.memory_space<vmem>>, %arg19: memref<!tpu.dma_semaphore, #tpu.memory_space<semaphore_mem>>, %arg20: memref<!tpu.dma_semaphore, #tpu.memory_space<semaphore_mem>>, %arg21: memref<!tpu.dma_semaphore, #tpu.memory_space<semaphore_mem>>, %arg22: memref<!tpu.dma_semaphore, #tpu.memory_space<semaphore_mem>>, %arg23: memref<!tpu.dma_semaphore, #tpu.memory_space<semaphore_mem>>, %arg24: memref<!tpu.dma_semaphore, #tpu.memory_space<semaphore_mem>>, %arg25: memref<!tpu.dma_semaphore, #tpu.memory_space<semaphore_mem>>, %arg26: memref<!tpu.dma_semaphore, #tpu.memory_space<semaphore_mem>>, %arg27: memref<!tpu.dma_semaphore, #tpu.memory_space<semaphore_mem>>, %arg28: memref<!tpu.dma_semaphore, #tpu.memory_space<semaphore_mem>>, %arg29: memref<!tpu.dma_semaphore, #tpu.memory_space<semaphore_mem>>, %arg30: memref<!tpu.dma_semaphore, #tpu.memory_space<semaphore_mem>>, %arg31: memref<!tpu.dma_semaphore, #tpu.memory_space<semaphore_mem>>, %arg32: memref<!tpu.dma_semaphore, #tpu.memory_space<semaphore_mem>>) attributes {dimension_semantics = [], scalar_prefetch = 0 : i64, scratch_operands = 29 : i64, tpu.core_type = #tpu.core_type<tc>} {
    %dma_start3A = arith.constant 0 : i32
    %dma_start3A_0 = arith.constant 0 : i32
    %dma_start3A_1 = tpu.memref_slice %arg1[%dma_start3A, %dma_start3A_0] : memref<15232x128xf32, #tpu.memory_space<hbm>> -> memref<256x128xf32, #tpu.memory_space<hbm>>
    tpu.enqueue_dma source(%dma_start3A_1 : memref<256x128xf32, #tpu.memory_space<hbm>>) target(%arg5 : memref<256x128xf32, #tpu.memory_space<vmem>>) target_semaphore(%arg19 : memref<!tpu.dma_semaphore, #tpu.memory_space<semaphore_mem>>)
    %dma_start3A_2 = arith.constant 256 : i32
    %dma_start3A_3 = arith.constant 0 : i32
    %dma_start3A_4 = tpu.memref_slice %arg1[%dma_start3A_2, %dma_start3A_3] : memref<15232x128xf32, #tpu.memory_space<hbm>> -> memref<384x128xf32, #tpu.memory_space<hbm>>
    tpu.enqueue_dma source(%dma_start3A_4 : memref<384x128xf32, #tpu.memory_space<hbm>>) target(%arg6 : memref<384x128xf32, #tpu.memory_space<vmem>>) target_semaphore(%arg20 : memref<!tpu.dma_semaphore, #tpu.memory_space<semaphore_mem>>)
    %dma_start3A_5 = arith.constant 640 : i32
    %dma_start3A_6 = arith.constant 0 : i32
    %dma_start3A_7 = tpu.memref_slice %arg1[%dma_start3A_5, %dma_start3A_6] : memref<15232x128xf32, #tpu.memory_space<hbm>> -> memref<512x128xf32, #tpu.memory_space<hbm>>
    tpu.enqueue_dma source(%dma_start3A_7 : memref<512x128xf32, #tpu.memory_space<hbm>>) target(%arg7 : memref<512x128xf32, #tpu.memory_space<vmem>>) target_semaphore(%arg21 : memref<!tpu.dma_semaphore, #tpu.memory_space<semaphore_mem>>)
    %dma_start3A_8 = arith.constant 1152 : i32
    %dma_start3A_9 = arith.constant 0 : i32
    %dma_start3A_10 = tpu.memref_slice %arg1[%dma_start3A_8, %dma_start3A_9] : memref<15232x128xf32, #tpu.memory_space<hbm>> -> memref<640x128xf32, #tpu.memory_space<hbm>>
    tpu.enqueue_dma source(%dma_start3A_10 : memref<640x128xf32, #tpu.memory_space<hbm>>) target(%arg8 : memref<640x128xf32, #tpu.memory_space<vmem>>) target_semaphore(%arg22 : memref<!tpu.dma_semaphore, #tpu.memory_space<semaphore_mem>>)
    %dma_start3A_11 = arith.constant 1792 : i32
    %dma_start3A_12 = arith.constant 0 : i32
    %dma_start3A_13 = tpu.memref_slice %arg1[%dma_start3A_11, %dma_start3A_12] : memref<15232x128xf32, #tpu.memory_space<hbm>> -> memref<768x128xf32, #tpu.memory_space<hbm>>
    tpu.enqueue_dma source(%dma_start3A_13 : memref<768x128xf32, #tpu.memory_space<hbm>>) target(%arg9 : memref<768x128xf32, #tpu.memory_space<vmem>>) target_semaphore(%arg23 : memref<!tpu.dma_semaphore, #tpu.memory_space<semaphore_mem>>)
    %dma_start3A_14 = arith.constant 2560 : i32
    %dma_start3A_15 = arith.constant 0 : i32
    %dma_start3A_16 = tpu.memref_slice %arg1[%dma_start3A_14, %dma_start3A_15] : memref<15232x128xf32, #tpu.memory_space<hbm>> -> memref<896x128xf32, #tpu.memory_space<hbm>>
    tpu.enqueue_dma source(%dma_start3A_16 : memref<896x128xf32, #tpu.memory_space<hbm>>) target(%arg10 : memref<896x128xf32, #tpu.memory_space<vmem>>) target_semaphore(%arg24 : memref<!tpu.dma_semaphore, #tpu.memory_space<semaphore_mem>>)
    %dma_start3A_17 = arith.constant 3456 : i32
    %dma_start3A_18 = arith.constant 0 : i32
    %dma_start3A_19 = tpu.memref_slice %arg1[%dma_start3A_17, %dma_start3A_18] : memref<15232x128xf32, #tpu.memory_space<hbm>> -> memref<1024x128xf32, #tpu.memory_space<hbm>>
    tpu.enqueue_dma source(%dma_start3A_19 : memref<1024x128xf32, #tpu.memory_space<hbm>>) target(%arg11 : memref<1024x128xf32, #tpu.memory_space<vmem>>) target_semaphore(%arg25 : memref<!tpu.dma_semaphore, #tpu.memory_space<semaphore_mem>>)
    %dma_start3A_20 = arith.constant 4480 : i32
    %dma_start3A_21 = arith.constant 0 : i32
    %dma_start3A_22 = tpu.memref_slice %arg1[%dma_start3A_20, %dma_start3A_21] : memref<15232x128xf32, #tpu.memory_space<hbm>> -> memref<1152x128xf32, #tpu.memory_space<hbm>>
    tpu.enqueue_dma source(%dma_start3A_22 : memref<1152x128xf32, #tpu.memory_space<hbm>>) target(%arg12 : memref<1152x128xf32, #tpu.memory_space<vmem>>) target_semaphore(%arg26 : memref<!tpu.dma_semaphore, #tpu.memory_space<semaphore_mem>>)
    %dma_start3A_23 = arith.constant 5632 : i32
    %dma_start3A_24 = arith.constant 0 : i32
    %dma_start3A_25 = tpu.memref_slice %arg1[%dma_start3A_23, %dma_start3A_24] : memref<15232x128xf32, #tpu.memory_space<hbm>> -> memref<1280x128xf32, #tpu.memory_space<hbm>>
    tpu.enqueue_dma source(%dma_start3A_25 : memref<1280x128xf32, #tpu.memory_space<hbm>>) target(%arg13 : memref<1280x128xf32, #tpu.memory_space<vmem>>) target_semaphore(%arg27 : memref<!tpu.dma_semaphore, #tpu.memory_space<semaphore_mem>>)
    %dma_start3A_26 = arith.constant 6912 : i32
    %dma_start3A_27 = arith.constant 0 : i32
    %dma_start3A_28 = tpu.memref_slice %arg1[%dma_start3A_26, %dma_start3A_27] : memref<15232x128xf32, #tpu.memory_space<hbm>> -> memref<1408x128xf32, #tpu.memory_space<hbm>>
    tpu.enqueue_dma source(%dma_start3A_28 : memref<1408x128xf32, #tpu.memory_space<hbm>>) target(%arg14 : memref<1408x128xf32, #tpu.memory_space<vmem>>) target_semaphore(%arg28 : memref<!tpu.dma_semaphore, #tpu.memory_space<semaphore_mem>>)
    %dma_start3A_29 = arith.constant 8320 : i32
    %dma_start3A_30 = arith.constant 0 : i32
    %dma_start3A_31 = tpu.memref_slice %arg1[%dma_start3A_29, %dma_start3A_30] : memref<15232x128xf32, #tpu.memory_space<hbm>> -> memref<1536x128xf32, #tpu.memory_space<hbm>>
    tpu.enqueue_dma source(%dma_start3A_31 : memref<1536x128xf32, #tpu.memory_space<hbm>>) target(%arg15 : memref<1536x128xf32, #tpu.memory_space<vmem>>) target_semaphore(%arg29 : memref<!tpu.dma_semaphore, #tpu.memory_space<semaphore_mem>>)
    %dma_start3A_32 = arith.constant 9856 : i32
    %dma_start3A_33 = arith.constant 0 : i32
    %dma_start3A_34 = tpu.memref_slice %arg1[%dma_start3A_32, %dma_start3A_33] : memref<15232x128xf32, #tpu.memory_space<hbm>> -> memref<1664x128xf32, #tpu.memory_space<hbm>>
    tpu.enqueue_dma source(%dma_start3A_34 : memref<1664x128xf32, #tpu.memory_space<hbm>>) target(%arg16 : memref<1664x128xf32, #tpu.memory_space<vmem>>) target_semaphore(%arg30 : memref<!tpu.dma_semaphore, #tpu.memory_space<semaphore_mem>>)
    %dma_start3A_35 = arith.constant 11520 : i32
    %dma_start3A_36 = arith.constant 0 : i32
    %dma_start3A_37 = tpu.memref_slice %arg1[%dma_start3A_35, %dma_start3A_36] : memref<15232x128xf32, #tpu.memory_space<hbm>> -> memref<1792x128xf32, #tpu.memory_space<hbm>>
    tpu.enqueue_dma source(%dma_start3A_37 : memref<1792x128xf32, #tpu.memory_space<hbm>>) target(%arg17 : memref<1792x128xf32, #tpu.memory_space<vmem>>) target_semaphore(%arg31 : memref<!tpu.dma_semaphore, #tpu.memory_space<semaphore_mem>>)
    %dma_start3A_38 = arith.constant 13312 : i32
    %dma_start3A_39 = arith.constant 0 : i32
    %dma_start3A_40 = tpu.memref_slice %arg1[%dma_start3A_38, %dma_start3A_39] : memref<15232x128xf32, #tpu.memory_space<hbm>> -> memref<1920x128xf32, #tpu.memory_space<hbm>>
    tpu.enqueue_dma source(%dma_start3A_40 : memref<1920x128xf32, #tpu.memory_space<hbm>>) target(%arg18 : memref<1920x128xf32, #tpu.memory_space<vmem>>) target_semaphore(%arg32 : memref<!tpu.dma_semaphore, #tpu.memory_space<semaphore_mem>>)
    %get3A = arith.constant 0 : index
    %get3A_41 = arith.constant 0 : index
    %get3A_42 = vector.load %arg0[%get3A, %get3A_41] : memref<512x256xf32, #tpu.memory_space<vmem>>, vector<512x256xf32>
    %convert_element_type3A = arith.truncf %get3A_42 : vector<512x256xf32> to vector<512x256xbf16>
    %swap3A = arith.constant 0 : index
    %swap3A_43 = arith.constant 0 : index
    %swap3A_44 = vector.load %arg4[%swap3A, %swap3A_43] : memref<512x2048xbf16, #tpu.memory_space<vmem>>, vector<512x256xbf16>
    tpu.vector_store %arg4[%swap3A, %swap3A_43], %convert_element_type3A {strides = array<i32>} : memref<512x2048xbf16, #tpu.memory_space<vmem>>, vector<512x256xbf16>,
    %dma_wait3A = arith.constant 0 : i32
    %dma_wait3A_45 = arith.constant 0 : i32
    %dma_wait3A_46 = tpu.memref_slice %arg1[%dma_wait3A, %dma_wait3A_45] : memref<15232x128xf32, #tpu.memory_space<hbm>> -> memref<256x128xf32, #tpu.memory_space<hbm>>
    tpu.wait_dma2 semaphore(%arg19 : memref<!tpu.dma_semaphore, #tpu.memory_space<semaphore_mem>>) src(%dma_wait3A_46 : memref<256x128xf32, #tpu.memory_space<hbm>>) dst(%arg5 : memref<256x128xf32, #tpu.memory_space<vmem>>)
    %get3A_47 = arith.constant 0 : index
    %get3A_48 = arith.constant 0 : index
    %get3A_49 = vector.load %arg5[%get3A_47, %get3A_48] : memref<256x128xf32, #tpu.memory_space<vmem>>, vector<256x128xf32>
    %convert_element_type3A_50 = arith.truncf %get3A_49 : vector<256x128xf32> to vector<256x128xbf16>
    %get3A_51 = arith.constant 0 : index
    %get3A_52 = arith.constant 0 : index
    %get3A_53 = vector.load %arg4[%get3A_51, %get3A_52] : memref<512x2048xbf16, #tpu.memory_space<vmem>>, vector<512x256xbf16>
    %dot_general3A = arith.constant dense<0.000000e+00> : vector<512x128xf32>
    %dot_general3A_54 = tpu.matmul %get3A_53, %convert_element_type3A_50, %dot_general3A {dimension_numbers = #tpu.dot_dimension_numbers<[1], [0], [0], [1], [0, 0, 1, 1], [], []>, transpose_lhs_hint = false} : vector<512x256xbf16>, vector<256x128xbf16>, vector<512x128xf32> -> vector<512x128xf32>
    %get3A_55 = arith.constant 256 : index
    %get3A_56 = vector.load %arg2[%get3A_55] : memref<2048xf32, #tpu.memory_space<vmem>>, vector<128xf32>
    %broadcast_in_dim3A = vector.shape_cast %get3A_56 : vector<128xf32> to vector<1x128xf32>
    %add3A = vector.broadcast %broadcast_in_dim3A : vector<1x128xf32> to vector<512x128xf32>
    %add3A_57 = arith.addf %dot_general3A_54, %add3A : vector<512x128xf32>
    %neg3A = arith.constant 0.000000e+00 : f32
    %neg3A_58 = vector.broadcast %neg3A : f32 to vector<512x128xf32>
    %neg3A_59 = arith.subf %neg3A_58, %add3A_57 : vector<512x128xf32>
    %exp3A = math.exp %neg3A_59 : vector<512x128xf32>
    %add3A_60 = arith.constant 1.000000e+00 : f32
    %add3A_61 = vector.broadcast %add3A_60 : f32 to vector<512x128xf32>
    %add3A_62 = arith.addf %add3A_61, %exp3A : vector<512x128xf32>
    %div3A = arith.constant 1.000000e+00 : f32
    %div3A_63 = vector.broadcast %div3A : f32 to vector<512x128xf32>
    %div3A_64 = arith.divf %div3A_63, %add3A_62 : vector<512x128xf32>
    %convert_element_type3A_65 = arith.truncf %div3A_64 : vector<512x128xf32> to vector<512x128xbf16>
    %swap3A_66 = arith.constant 0 : index
    %swap3A_67 = arith.constant 256 : index
    %swap3A_68 = vector.load %arg4[%swap3A_66, %swap3A_67] : memref<512x2048xbf16, #tpu.memory_space<vmem>>, vector<512x128xbf16>
    tpu.vector_store %arg4[%swap3A_66, %swap3A_67], %convert_element_type3A_65 {strides = array<i32>} : memref<512x2048xbf16, #tpu.memory_space<vmem>>, vector<512x128xbf16>,
    %dma_wait3A_69 = arith.constant 256 : i32
    %dma_wait3A_70 = arith.constant 0 : i32
    %dma_wait3A_71 = tpu.memref_slice %arg1[%dma_wait3A_69, %dma_wait3A_70] : memref<15232x128xf32, #tpu.memory_space<hbm>> -> memref<384x128xf32, #tpu.memory_space<hbm>>
    tpu.wait_dma2 semaphore(%arg20 : memref<!tpu.dma_semaphore, #tpu.memory_space<semaphore_mem>>) src(%dma_wait3A_71 : memref<384x128xf32, #tpu.memory_space<hbm>>) dst(%arg6 : memref<384x128xf32, #tpu.memory_space<vmem>>)
    %get3A_72 = arith.constant 0 : index
    %get3A_73 = arith.constant 0 : index
    %get3A_74 = vector.load %arg6[%get3A_72, %get3A_73] : memref<384x128xf32, #tpu.memory_space<vmem>>, vector<384x128xf32>
    %convert_element_type3A_75 = arith.truncf %get3A_74 : vector<384x128xf32> to vector<384x128xbf16>
    %get3A_76 = arith.constant 0 : index
    %get3A_77 = arith.constant 0 : index
    %get3A_78 = vector.load %arg4[%get3A_76, %get3A_77] : memref<512x2048xbf16, #tpu.memory_space<vmem>>, vector<512x256xbf16>
    %slice3A = vector.extract_strided_slice %convert_element_type3A_75 {offsets = [0, 0], sizes = [256, 128], strides = [1, 1]} : vector<384x128xbf16> to vector<256x128xbf16>
    %dot_general3A_79 = arith.constant dense<0.000000e+00> : vector<512x128xf32>
    %dot_general3A_80 = tpu.matmul %get3A_78, %slice3A, %dot_general3A_79 {dimension_numbers = #tpu.dot_dimension_numbers<[1], [0], [0], [1], [0, 0, 1, 1], [], []>, transpose_lhs_hint = false} : vector<512x256xbf16>, vector<256x128xbf16>, vector<512x128xf32> -> vector<512x128xf32>
    %slice3A_81 = vector.extract_strided_slice %convert_element_type3A_75 {offsets = [256, 0], sizes = [128, 128], strides = [1, 1]} : vector<384x128xbf16> to vector<128x128xbf16>
    %dot_general3A_82 = arith.constant dense<0.000000e+00> : vector<512x128xf32>
    %dot_general3A_83 = tpu.matmul %convert_element_type3A_65, %slice3A_81, %dot_general3A_82 {dimension_numbers = #tpu.dot_dimension_numbers<[1], [0], [0], [1], [0, 0, 1, 1], [], []>, transpose_lhs_hint = false} : vector<512x128xbf16>, vector<128x128xbf16>, vector<512x128xf32> -> vector<512x128xf32>
    %add3A_84 = arith.addf %dot_general3A_80, %dot_general3A_83 : vector<512x128xf32>
    %get3A_85 = arith.constant 384 : index
    %get3A_86 = vector.load %arg2[%get3A_85] : memref<2048xf32, #tpu.memory_space<vmem>>, vector<128xf32>
    %broadcast_in_dim3A_87 = vector.shape_cast %get3A_86 : vector<128xf32> to vector<1x128xf32>
    %add3A_88 = vector.broadcast %broadcast_in_dim3A_87 : vector<1x128xf32> to vector<512x128xf32>
    %add3A_89 = arith.addf %add3A_84, %add3A_88 : vector<512x128xf32>
    %neg3A_90 = arith.constant 0.000000e+00 : f32
    %neg3A_91 = vector.broadcast %neg3A_90 : f32 to vector<512x128xf32>
    %neg3A_92 = arith.subf %neg3A_91, %add3A_89 : vector<512x128xf32>
    %exp3A_93 = math.exp %neg3A_92 : vector<512x128xf32>
    %add3A_94 = arith.constant 1.000000e+00 : f32
    %add3A_95 = vector.broadcast %add3A_94 : f32 to vector<512x128xf32>
    %add3A_96 = arith.addf %add3A_95, %exp3A_93 : vector<512x128xf32>
    %div3A_97 = arith.constant 1.000000e+00 : f32
    %div3A_98 = vector.broadcast %div3A_97 : f32 to vector<512x128xf32>
    %div3A_99 = arith.divf %div3A_98, %add3A_96 : vector<512x128xf32>
    %convert_element_type3A_100 = arith.truncf %div3A_99 : vector<512x128xf32> to vector<512x128xbf16>
    %swap3A_101 = arith.constant 0 : index
    %swap3A_102 = arith.constant 384 : index
    %swap3A_103 = vector.load %arg4[%swap3A_101, %swap3A_102] : memref<512x2048xbf16, #tpu.memory_space<vmem>>, vector<512x128xbf16>
    tpu.vector_store %arg4[%swap3A_101, %swap3A_102], %convert_element_type3A_100 {strides = array<i32>} : memref<512x2048xbf16, #tpu.memory_space<vmem>>, vector<512x128xbf16>,
    %dma_wait3A_104 = arith.constant 640 : i32
    %dma_wait3A_105 = arith.constant 0 : i32
    %dma_wait3A_106 = tpu.memref_slice %arg1[%dma_wait3A_104, %dma_wait3A_105] : memref<15232x128xf32, #tpu.memory_space<hbm>> -> memref<512x128xf32, #tpu.memory_space<hbm>>
    tpu.wait_dma2 semaphore(%arg21 : memref<!tpu.dma_semaphore, #tpu.memory_space<semaphore_mem>>) src(%dma_wait3A_106 : memref<512x128xf32, #tpu.memory_space<hbm>>) dst(%arg7 : memref<512x128xf32, #tpu.memory_space<vmem>>)
    %get3A_107 = arith.constant 0 : index
    %get3A_108 = arith.constant 0 : index
    %get3A_109 = vector.load %arg7[%get3A_107, %get3A_108] : memref<512x128xf32, #tpu.memory_space<vmem>>, vector<512x128xf32>
    %convert_element_type3A_110 = arith.truncf %get3A_109 : vector<512x128xf32> to vector<512x128xbf16>
    %get3A_111 = arith.constant 0 : index
    %get3A_112 = arith.constant 0 : index
    %get3A_113 = vector.load %arg4[%get3A_111, %get3A_112] : memref<512x2048xbf16, #tpu.memory_space<vmem>>, vector<512x384xbf16>
    %slice3A_114 = vector.extract_strided_slice %convert_element_type3A_110 {offsets = [0, 0], sizes = [384, 128], strides = [1, 1]} : vector<512x128xbf16> to vector<384x128xbf16>
    %dot_general3A_115 = arith.constant dense<0.000000e+00> : vector<512x128xf32>
    %dot_general3A_116 = tpu.matmul %get3A_113, %slice3A_114, %dot_general3A_115 {dimension_numbers = #tpu.dot_dimension_numbers<[1], [0], [0], [1], [0, 0, 1, 1], [], []>, transpose_lhs_hint = false} : vector<512x384xbf16>, vector<384x128xbf16>, vector<512x128xf32> -> vector<512x128xf32>
    %slice3A_117 = vector.extract_strided_slice %convert_element_type3A_110 {offsets = [384, 0], sizes = [128, 128], strides = [1, 1]} : vector<512x128xbf16> to vector<128x128xbf16>
    %dot_general3A_118 = arith.constant dense<0.000000e+00> : vector<512x128xf32>
    %dot_general3A_119 = tpu.matmul %convert_element_type3A_100, %slice3A_117, %dot_general3A_118 {dimension_numbers = #tpu.dot_dimension_numbers<[1], [0], [0], [1], [0, 0, 1, 1], [], []>, transpose_lhs_hint = false} : vector<512x128xbf16>, vector<128x128xbf16>, vector<512x128xf32> -> vector<512x128xf32>
    %add3A_120 = arith.addf %dot_general3A_116, %dot_general3A_119 : vector<512x128xf32>
    %get3A_121 = arith.constant 512 : index
    %get3A_122 = vector.load %arg2[%get3A_121] : memref<2048xf32, #tpu.memory_space<vmem>>, vector<128xf32>
    %broadcast_in_dim3A_123 = vector.shape_cast %get3A_122 : vector<128xf32> to vector<1x128xf32>
    %add3A_124 = vector.broadcast %broadcast_in_dim3A_123 : vector<1x128xf32> to vector<512x128xf32>
    %add3A_125 = arith.addf %add3A_120, %add3A_124 : vector<512x128xf32>
    %neg3A_126 = arith.constant 0.000000e+00 : f32
    %neg3A_127 = vector.broadcast %neg3A_126 : f32 to vector<512x128xf32>
    %neg3A_128 = arith.subf %neg3A_127, %add3A_125 : vector<512x128xf32>
    %exp3A_129 = math.exp %neg3A_128 : vector<512x128xf32>
    %add3A_130 = arith.constant 1.000000e+00 : f32
    %add3A_131 = vector.broadcast %add3A_130 : f32 to vector<512x128xf32>
    %add3A_132 = arith.addf %add3A_131, %exp3A_129 : vector<512x128xf32>
    %div3A_133 = arith.constant 1.000000e+00 : f32
    %div3A_134 = vector.broadcast %div3A_133 : f32 to vector<512x128xf32>
    %div3A_135 = arith.divf %div3A_134, %add3A_132 : vector<512x128xf32>
    %convert_element_type3A_136 = arith.truncf %div3A_135 : vector<512x128xf32> to vector<512x128xbf16>
    %swap3A_137 = arith.constant 0 : index
    %swap3A_138 = arith.constant 512 : index
    %swap3A_139 = vector.load %arg4[%swap3A_137, %swap3A_138] : memref<512x2048xbf16, #tpu.memory_space<vmem>>, vector<512x128xbf16>
    tpu.vector_store %arg4[%swap3A_137, %swap3A_138], %convert_element_type3A_136 {strides = array<i32>} : memref<512x2048xbf16, #tpu.memory_space<vmem>>, vector<512x128xbf16>,
    %dma_wait3A_140 = arith.constant 1152 : i32
    %dma_wait3A_141 = arith.constant 0 : i32
    %dma_wait3A_142 = tpu.memref_slice %arg1[%dma_wait3A_140, %dma_wait3A_141] : memref<15232x128xf32, #tpu.memory_space<hbm>> -> memref<640x128xf32, #tpu.memory_space<hbm>>
    tpu.wait_dma2 semaphore(%arg22 : memref<!tpu.dma_semaphore, #tpu.memory_space<semaphore_mem>>) src(%dma_wait3A_142 : memref<640x128xf32, #tpu.memory_space<hbm>>) dst(%arg8 : memref<640x128xf32, #tpu.memory_space<vmem>>)
    %get3A_143 = arith.constant 0 : index
    %get3A_144 = arith.constant 0 : index
    %get3A_145 = vector.load %arg8[%get3A_143, %get3A_144] : memref<640x128xf32, #tpu.memory_space<vmem>>, vector<640x128xf32>
    %convert_element_type3A_146 = arith.truncf %get3A_145 : vector<640x128xf32> to vector<640x128xbf16>
    %get3A_147 = arith.constant 0 : index
    %get3A_148 = arith.constant 0 : index
    %get3A_149 = vector.load %arg4[%get3A_147, %get3A_148] : memref<512x2048xbf16, #tpu.memory_space<vmem>>, vector<512x512xbf16>
    %slice3A_150 = vector.extract_strided_slice %convert_element_type3A_146 {offsets = [0, 0], sizes = [512, 128], strides = [1, 1]} : vector<640x128xbf16> to vector<512x128xbf16>
    %dot_general3A_151 = arith.constant dense<0.000000e+00> : vector<512x128xf32>
    %dot_general3A_152 = tpu.matmul %get3A_149, %slice3A_150, %dot_general3A_151 {dimension_numbers = #tpu.dot_dimension_numbers<[1], [0], [0], [1], [0, 0, 1, 1], [], []>, transpose_lhs_hint = false} : vector<512x512xbf16>, vector<512x128xbf16>, vector<512x128xf32> -> vector<512x128xf32>
    %slice3A_153 = vector.extract_strided_slice %convert_element_type3A_146 {offsets = [512, 0], sizes = [128, 128], strides = [1, 1]} : vector<640x128xbf16> to vector<128x128xbf16>
    %dot_general3A_154 = arith.constant dense<0.000000e+00> : vector<512x128xf32>
    %dot_general3A_155 = tpu.matmul %convert_element_type3A_136, %slice3A_153, %dot_general3A_154 {dimension_numbers = #tpu.dot_dimension_numbers<[1], [0], [0], [1], [0, 0, 1, 1], [], []>, transpose_lhs_hint = false} : vector<512x128xbf16>, vector<128x128xbf16>, vector<512x128xf32> -> vector<512x128xf32>
    %add3A_156 = arith.addf %dot_general3A_152, %dot_general3A_155 : vector<512x128xf32>
    %get3A_157 = arith.constant 640 : index
    %get3A_158 = vector.load %arg2[%get3A_157] : memref<2048xf32, #tpu.memory_space<vmem>>, vector<128xf32>
    %broadcast_in_dim3A_159 = vector.shape_cast %get3A_158 : vector<128xf32> to vector<1x128xf32>
    %add3A_160 = vector.broadcast %broadcast_in_dim3A_159 : vector<1x128xf32> to vector<512x128xf32>
    %add3A_161 = arith.addf %add3A_156, %add3A_160 : vector<512x128xf32>
    %neg3A_162 = arith.constant 0.000000e+00 : f32
    %neg3A_163 = vector.broadcast %neg3A_162 : f32 to vector<512x128xf32>
    %neg3A_164 = arith.subf %neg3A_163, %add3A_161 : vector<512x128xf32>
    %exp3A_165 = math.exp %neg3A_164 : vector<512x128xf32>
    %add3A_166 = arith.constant 1.000000e+00 : f32
    %add3A_167 = vector.broadcast %add3A_166 : f32 to vector<512x128xf32>
    %add3A_168 = arith.addf %add3A_167, %exp3A_165 : vector<512x128xf32>
    %div3A_169 = arith.constant 1.000000e+00 : f32
    %div3A_170 = vector.broadcast %div3A_169 : f32 to vector<512x128xf32>
    %div3A_171 = arith.divf %div3A_170, %add3A_168 : vector<512x128xf32>
    %convert_element_type3A_172 = arith.truncf %div3A_171 : vector<512x128xf32> to vector<512x128xbf16>
    %swap3A_173 = arith.constant 0 : index
    %swap3A_174 = arith.constant 640 : index
    %swap3A_175 = vector.load %arg4[%swap3A_173, %swap3A_174] : memref<512x2048xbf16, #tpu.memory_space<vmem>>, vector<512x128xbf16>
    tpu.vector_store %arg4[%swap3A_173, %swap3A_174], %convert_element_type3A_172 {strides = array<i32>} : memref<512x2048xbf16, #tpu.memory_space<vmem>>, vector<512x128xbf16>,
    %dma_wait3A_176 = arith.constant 1792 : i32
    %dma_wait3A_177 = arith.constant 0 : i32
    %dma_wait3A_178 = tpu.memref_slice %arg1[%dma_wait3A_176, %dma_wait3A_177] : memref<15232x128xf32, #tpu.memory_space<hbm>> -> memref<768x128xf32, #tpu.memory_space<hbm>>
    tpu.wait_dma2 semaphore(%arg23 : memref<!tpu.dma_semaphore, #tpu.memory_space<semaphore_mem>>) src(%dma_wait3A_178 : memref<768x128xf32, #tpu.memory_space<hbm>>) dst(%arg9 : memref<768x128xf32, #tpu.memory_space<vmem>>)
    %get3A_179 = arith.constant 0 : index
    %get3A_180 = arith.constant 0 : index
    %get3A_181 = vector.load %arg9[%get3A_179, %get3A_180] : memref<768x128xf32, #tpu.memory_space<vmem>>, vector<768x128xf32>
    %convert_element_type3A_182 = arith.truncf %get3A_181 : vector<768x128xf32> to vector<768x128xbf16>
    %get3A_183 = arith.constant 0 : index
    %get3A_184 = arith.constant 0 : index
    %get3A_185 = vector.load %arg4[%get3A_183, %get3A_184] : memref<512x2048xbf16, #tpu.memory_space<vmem>>, vector<512x640xbf16>
    %slice3A_186 = vector.extract_strided_slice %convert_element_type3A_182 {offsets = [0, 0], sizes = [640, 128], strides = [1, 1]} : vector<768x128xbf16> to vector<640x128xbf16>
    %dot_general3A_187 = arith.constant dense<0.000000e+00> : vector<512x128xf32>
    %dot_general3A_188 = tpu.matmul %get3A_185, %slice3A_186, %dot_general3A_187 {dimension_numbers = #tpu.dot_dimension_numbers<[1], [0], [0], [1], [0, 0, 1, 1], [], []>, transpose_lhs_hint = false} : vector<512x640xbf16>, vector<640x128xbf16>, vector<512x128xf32> -> vector<512x128xf32>
    %slice3A_189 = vector.extract_strided_slice %convert_element_type3A_182 {offsets = [640, 0], sizes = [128, 128], strides = [1, 1]} : vector<768x128xbf16> to vector<128x128xbf16>
    %dot_general3A_190 = arith.constant dense<0.000000e+00> : vector<512x128xf32>
    %dot_general3A_191 = tpu.matmul %convert_element_type3A_172, %slice3A_189, %dot_general3A_190 {dimension_numbers = #tpu.dot_dimension_numbers<[1], [0], [0], [1], [0, 0, 1, 1], [], []>, transpose_lhs_hint = false} : vector<512x128xbf16>, vector<128x128xbf16>, vector<512x128xf32> -> vector<512x128xf32>
    %add3A_192 = arith.addf %dot_general3A_188, %dot_general3A_191 : vector<512x128xf32>
    %get3A_193 = arith.constant 768 : index
    %get3A_194 = vector.load %arg2[%get3A_193] : memref<2048xf32, #tpu.memory_space<vmem>>, vector<128xf32>
    %broadcast_in_dim3A_195 = vector.shape_cast %get3A_194 : vector<128xf32> to vector<1x128xf32>
    %add3A_196 = vector.broadcast %broadcast_in_dim3A_195 : vector<1x128xf32> to vector<512x128xf32>
    %add3A_197 = arith.addf %add3A_192, %add3A_196 : vector<512x128xf32>
    %neg3A_198 = arith.constant 0.000000e+00 : f32
    %neg3A_199 = vector.broadcast %neg3A_198 : f32 to vector<512x128xf32>
    %neg3A_200 = arith.subf %neg3A_199, %add3A_197 : vector<512x128xf32>
    %exp3A_201 = math.exp %neg3A_200 : vector<512x128xf32>
    %add3A_202 = arith.constant 1.000000e+00 : f32
    %add3A_203 = vector.broadcast %add3A_202 : f32 to vector<512x128xf32>
    %add3A_204 = arith.addf %add3A_203, %exp3A_201 : vector<512x128xf32>
    %div3A_205 = arith.constant 1.000000e+00 : f32
    %div3A_206 = vector.broadcast %div3A_205 : f32 to vector<512x128xf32>
    %div3A_207 = arith.divf %div3A_206, %add3A_204 : vector<512x128xf32>
    %convert_element_type3A_208 = arith.truncf %div3A_207 : vector<512x128xf32> to vector<512x128xbf16>
    %swap3A_209 = arith.constant 0 : index
    %swap3A_210 = arith.constant 768 : index
    %swap3A_211 = vector.load %arg4[%swap3A_209, %swap3A_210] : memref<512x2048xbf16, #tpu.memory_space<vmem>>, vector<512x128xbf16>
    tpu.vector_store %arg4[%swap3A_209, %swap3A_210], %convert_element_type3A_208 {strides = array<i32>} : memref<512x2048xbf16, #tpu.memory_space<vmem>>, vector<512x128xbf16>,
    %dma_wait3A_212 = arith.constant 2560 : i32
    %dma_wait3A_213 = arith.constant 0 : i32
    %dma_wait3A_214 = tpu.memref_slice %arg1[%dma_wait3A_212, %dma_wait3A_213] : memref<15232x128xf32, #tpu.memory_space<hbm>> -> memref<896x128xf32, #tpu.memory_space<hbm>>
    tpu.wait_dma2 semaphore(%arg24 : memref<!tpu.dma_semaphore, #tpu.memory_space<semaphore_mem>>) src(%dma_wait3A_214 : memref<896x128xf32, #tpu.memory_space<hbm>>) dst(%arg10 : memref<896x128xf32, #tpu.memory_space<vmem>>)
    %get3A_215 = arith.constant 0 : index
    %get3A_216 = arith.constant 0 : index
    %get3A_217 = vector.load %arg10[%get3A_215, %get3A_216] : memref<896x128xf32, #tpu.memory_space<vmem>>, vector<896x128xf32>
    %convert_element_type3A_218 = arith.truncf %get3A_217 : vector<896x128xf32> to vector<896x128xbf16>
    %get3A_219 = arith.constant 0 : index
    %get3A_220 = arith.constant 0 : index
    %get3A_221 = vector.load %arg4[%get3A_219, %get3A_220] : memref<512x2048xbf16, #tpu.memory_space<vmem>>, vector<512x768xbf16>
    %slice3A_222 = vector.extract_strided_slice %convert_element_type3A_218 {offsets = [0, 0], sizes = [768, 128], strides = [1, 1]} : vector<896x128xbf16> to vector<768x128xbf16>
    %dot_general3A_223 = arith.constant dense<0.000000e+00> : vector<512x128xf32>
    %dot_general3A_224 = tpu.matmul %get3A_221, %slice3A_222, %dot_general3A_223 {dimension_numbers = #tpu.dot_dimension_numbers<[1], [0], [0], [1], [0, 0, 1, 1], [], []>, transpose_lhs_hint = false} : vector<512x768xbf16>, vector<768x128xbf16>, vector<512x128xf32> -> vector<512x128xf32>
    %slice3A_225 = vector.extract_strided_slice %convert_element_type3A_218 {offsets = [768, 0], sizes = [128, 128], strides = [1, 1]} : vector<896x128xbf16> to vector<128x128xbf16>
    %dot_general3A_226 = arith.constant dense<0.000000e+00> : vector<512x128xf32>
    %dot_general3A_227 = tpu.matmul %convert_element_type3A_208, %slice3A_225, %dot_general3A_226 {dimension_numbers = #tpu.dot_dimension_numbers<[1], [0], [0], [1], [0, 0, 1, 1], [], []>, transpose_lhs_hint = false} : vector<512x128xbf16>, vector<128x128xbf16>, vector<512x128xf32> -> vector<512x128xf32>
    %add3A_228 = arith.addf %dot_general3A_224, %dot_general3A_227 : vector<512x128xf32>
    %get3A_229 = arith.constant 896 : index
    %get3A_230 = vector.load %arg2[%get3A_229] : memref<2048xf32, #tpu.memory_space<vmem>>, vector<128xf32>
    %broadcast_in_dim3A_231 = vector.shape_cast %get3A_230 : vector<128xf32> to vector<1x128xf32>
    %add3A_232 = vector.broadcast %broadcast_in_dim3A_231 : vector<1x128xf32> to vector<512x128xf32>
    %add3A_233 = arith.addf %add3A_228, %add3A_232 : vector<512x128xf32>
    %neg3A_234 = arith.constant 0.000000e+00 : f32
    %neg3A_235 = vector.broadcast %neg3A_234 : f32 to vector<512x128xf32>
    %neg3A_236 = arith.subf %neg3A_235, %add3A_233 : vector<512x128xf32>
    %exp3A_237 = math.exp %neg3A_236 : vector<512x128xf32>
    %add3A_238 = arith.constant 1.000000e+00 : f32
    %add3A_239 = vector.broadcast %add3A_238 : f32 to vector<512x128xf32>
    %add3A_240 = arith.addf %add3A_239, %exp3A_237 : vector<512x128xf32>
    %div3A_241 = arith.constant 1.000000e+00 : f32
    %div3A_242 = vector.broadcast %div3A_241 : f32 to vector<512x128xf32>
    %div3A_243 = arith.divf %div3A_242, %add3A_240 : vector<512x128xf32>
    %convert_element_type3A_244 = arith.truncf %div3A_243 : vector<512x128xf32> to vector<512x128xbf16>
    %swap3A_245 = arith.constant 0 : index
    %swap3A_246 = arith.constant 896 : index
    %swap3A_247 = vector.load %arg4[%swap3A_245, %swap3A_246] : memref<512x2048xbf16, #tpu.memory_space<vmem>>, vector<512x128xbf16>
    tpu.vector_store %arg4[%swap3A_245, %swap3A_246], %convert_element_type3A_244 {strides = array<i32>} : memref<512x2048xbf16, #tpu.memory_space<vmem>>, vector<512x128xbf16>,
    %dma_wait3A_248 = arith.constant 3456 : i32
    %dma_wait3A_249 = arith.constant 0 : i32
    %dma_wait3A_250 = tpu.memref_slice %arg1[%dma_wait3A_248, %dma_wait3A_249] : memref<15232x128xf32, #tpu.memory_space<hbm>> -> memref<1024x128xf32, #tpu.memory_space<hbm>>
    tpu.wait_dma2 semaphore(%arg25 : memref<!tpu.dma_semaphore, #tpu.memory_space<semaphore_mem>>) src(%dma_wait3A_250 : memref<1024x128xf32, #tpu.memory_space<hbm>>) dst(%arg11 : memref<1024x128xf32, #tpu.memory_space<vmem>>)
    %get3A_251 = arith.constant 0 : index
    %get3A_252 = arith.constant 0 : index
    %get3A_253 = vector.load %arg11[%get3A_251, %get3A_252] : memref<1024x128xf32, #tpu.memory_space<vmem>>, vector<1024x128xf32>
    %convert_element_type3A_254 = arith.truncf %get3A_253 : vector<1024x128xf32> to vector<1024x128xbf16>
    %get3A_255 = arith.constant 0 : index
    %get3A_256 = arith.constant 0 : index
    %get3A_257 = vector.load %arg4[%get3A_255, %get3A_256] : memref<512x2048xbf16, #tpu.memory_space<vmem>>, vector<512x896xbf16>
    %slice3A_258 = vector.extract_strided_slice %convert_element_type3A_254 {offsets = [0, 0], sizes = [896, 128], strides = [1, 1]} : vector<1024x128xbf16> to vector<896x128xbf16>
    %dot_general3A_259 = arith.constant dense<0.000000e+00> : vector<512x128xf32>
    %dot_general3A_260 = tpu.matmul %get3A_257, %slice3A_258, %dot_general3A_259 {dimension_numbers = #tpu.dot_dimension_numbers<[1], [0], [0], [1], [0, 0, 1, 1], [], []>, transpose_lhs_hint = false} : vector<512x896xbf16>, vector<896x128xbf16>, vector<512x128xf32> -> vector<512x128xf32>
    %slice3A_261 = vector.extract_strided_slice %convert_element_type3A_254 {offsets = [896, 0], sizes = [128, 128], strides = [1, 1]} : vector<1024x128xbf16> to vector<128x128xbf16>
    %dot_general3A_262 = arith.constant dense<0.000000e+00> : vector<512x128xf32>
    %dot_general3A_263 = tpu.matmul %convert_element_type3A_244, %slice3A_261, %dot_general3A_262 {dimension_numbers = #tpu.dot_dimension_numbers<[1], [0], [0], [1], [0, 0, 1, 1], [], []>, transpose_lhs_hint = false} : vector<512x128xbf16>, vector<128x128xbf16>, vector<512x128xf32> -> vector<512x128xf32>
    %add3A_264 = arith.addf %dot_general3A_260, %dot_general3A_263 : vector<512x128xf32>
    %get3A_265 = arith.constant 1024 : index
    %get3A_266 = vector.load %arg2[%get3A_265] : memref<2048xf32, #tpu.memory_space<vmem>>, vector<128xf32>
    %broadcast_in_dim3A_267 = vector.shape_cast %get3A_266 : vector<128xf32> to vector<1x128xf32>
    %add3A_268 = vector.broadcast %broadcast_in_dim3A_267 : vector<1x128xf32> to vector<512x128xf32>
    %add3A_269 = arith.addf %add3A_264, %add3A_268 : vector<512x128xf32>
    %neg3A_270 = arith.constant 0.000000e+00 : f32
    %neg3A_271 = vector.broadcast %neg3A_270 : f32 to vector<512x128xf32>
    %neg3A_272 = arith.subf %neg3A_271, %add3A_269 : vector<512x128xf32>
    %exp3A_273 = math.exp %neg3A_272 : vector<512x128xf32>
    %add3A_274 = arith.constant 1.000000e+00 : f32
    %add3A_275 = vector.broadcast %add3A_274 : f32 to vector<512x128xf32>
    %add3A_276 = arith.addf %add3A_275, %exp3A_273 : vector<512x128xf32>
    %div3A_277 = arith.constant 1.000000e+00 : f32
    %div3A_278 = vector.broadcast %div3A_277 : f32 to vector<512x128xf32>
    %div3A_279 = arith.divf %div3A_278, %add3A_276 : vector<512x128xf32>
    %convert_element_type3A_280 = arith.truncf %div3A_279 : vector<512x128xf32> to vector<512x128xbf16>
    %swap3A_281 = arith.constant 0 : index
    %swap3A_282 = arith.constant 1024 : index
    %swap3A_283 = vector.load %arg4[%swap3A_281, %swap3A_282] : memref<512x2048xbf16, #tpu.memory_space<vmem>>, vector<512x128xbf16>
    tpu.vector_store %arg4[%swap3A_281, %swap3A_282], %convert_element_type3A_280 {strides = array<i32>} : memref<512x2048xbf16, #tpu.memory_space<vmem>>, vector<512x128xbf16>,
    %dma_wait3A_284 = arith.constant 4480 : i32
    %dma_wait3A_285 = arith.constant 0 : i32
    %dma_wait3A_286 = tpu.memref_slice %arg1[%dma_wait3A_284, %dma_wait3A_285] : memref<15232x128xf32, #tpu.memory_space<hbm>> -> memref<1152x128xf32, #tpu.memory_space<hbm>>
    tpu.wait_dma2 semaphore(%arg26 : memref<!tpu.dma_semaphore, #tpu.memory_space<semaphore_mem>>) src(%dma_wait3A_286 : memref<1152x128xf32, #tpu.memory_space<hbm>>) dst(%arg12 : memref<1152x128xf32, #tpu.memory_space<vmem>>)
    %get3A_287 = arith.constant 0 : index
    %get3A_288 = arith.constant 0 : index
    %get3A_289 = vector.load %arg12[%get3A_287, %get3A_288] : memref<1152x128xf32, #tpu.memory_space<vmem>>, vector<1152x128xf32>
    %convert_element_type3A_290 = arith.truncf %get3A_289 : vector<1152x128xf32> to vector<1152x128xbf16>
    %get3A_291 = arith.constant 0 : index
    %get3A_292 = arith.constant 0 : index
    %get3A_293 = vector.load %arg4[%get3A_291, %get3A_292] : memref<512x2048xbf16, #tpu.memory_space<vmem>>, vector<512x1024xbf16>
    %slice3A_294 = vector.extract_strided_slice %convert_element_type3A_290 {offsets = [0, 0], sizes = [1024, 128], strides = [1, 1]} : vector<1152x128xbf16> to vector<1024x128xbf16>
    %dot_general3A_295 = arith.constant dense<0.000000e+00> : vector<512x128xf32>
    %dot_general3A_296 = tpu.matmul %get3A_293, %slice3A_294, %dot_general3A_295 {dimension_numbers = #tpu.dot_dimension_numbers<[1], [0], [0], [1], [0, 0, 1, 1], [], []>, transpose_lhs_hint = false} : vector<512x1024xbf16>, vector<1024x128xbf16>, vector<512x128xf32> -> vector<512x128xf32>
    %slice3A_297 = vector.extract_strided_slice %convert_element_type3A_290 {offsets = [1024, 0], sizes = [128, 128], strides = [1, 1]} : vector<1152x128xbf16> to vector<128x128xbf16>
    %dot_general3A_298 = arith.constant dense<0.000000e+00> : vector<512x128xf32>
    %dot_general3A_299 = tpu.matmul %convert_element_type3A_280, %slice3A_297, %dot_general3A_298 {dimension_numbers = #tpu.dot_dimension_numbers<[1], [0], [0], [1], [0, 0, 1, 1], [], []>, transpose_lhs_hint = false} : vector<512x128xbf16>, vector<128x128xbf16>, vector<512x128xf32> -> vector<512x128xf32>
    %add3A_300 = arith.addf %dot_general3A_296, %dot_general3A_299 : vector<512x128xf32>
    %get3A_301 = arith.constant 1152 : index
    %get3A_302 = vector.load %arg2[%get3A_301] : memref<2048xf32, #tpu.memory_space<vmem>>, vector<128xf32>
    %broadcast_in_dim3A_303 = vector.shape_cast %get3A_302 : vector<128xf32> to vector<1x128xf32>
    %add3A_304 = vector.broadcast %broadcast_in_dim3A_303 : vector<1x128xf32> to vector<512x128xf32>
    %add3A_305 = arith.addf %add3A_300, %add3A_304 : vector<512x128xf32>
    %neg3A_306 = arith.constant 0.000000e+00 : f32
    %neg3A_307 = vector.broadcast %neg3A_306 : f32 to vector<512x128xf32>
    %neg3A_308 = arith.subf %neg3A_307, %add3A_305 : vector<512x128xf32>
    %exp3A_309 = math.exp %neg3A_308 : vector<512x128xf32>
    %add3A_310 = arith.constant 1.000000e+00 : f32
    %add3A_311 = vector.broadcast %add3A_310 : f32 to vector<512x128xf32>
    %add3A_312 = arith.addf %add3A_311, %exp3A_309 : vector<512x128xf32>
    %div3A_313 = arith.constant 1.000000e+00 : f32
    %div3A_314 = vector.broadcast %div3A_313 : f32 to vector<512x128xf32>
    %div3A_315 = arith.divf %div3A_314, %add3A_312 : vector<512x128xf32>
    %convert_element_type3A_316 = arith.truncf %div3A_315 : vector<512x128xf32> to vector<512x128xbf16>
    %swap3A_317 = arith.constant 0 : index
    %swap3A_318 = arith.constant 1152 : index
    %swap3A_319 = vector.load %arg4[%swap3A_317, %swap3A_318] : memref<512x2048xbf16, #tpu.memory_space<vmem>>, vector<512x128xbf16>
    tpu.vector_store %arg4[%swap3A_317, %swap3A_318], %convert_element_type3A_316 {strides = array<i32>} : memref<512x2048xbf16, #tpu.memory_space<vmem>>, vector<512x128xbf16>,
    %dma_wait3A_320 = arith.constant 5632 : i32
    %dma_wait3A_321 = arith.constant 0 : i32
    %dma_wait3A_322 = tpu.memref_slice %arg1[%dma_wait3A_320, %dma_wait3A_321] : memref<15232x128xf32, #tpu.memory_space<hbm>> -> memref<1280x128xf32, #tpu.memory_space<hbm>>
    tpu.wait_dma2 semaphore(%arg27 : memref<!tpu.dma_semaphore, #tpu.memory_space<semaphore_mem>>) src(%dma_wait3A_322 : memref<1280x128xf32, #tpu.memory_space<hbm>>) dst(%arg13 : memref<1280x128xf32, #tpu.memory_space<vmem>>)
    %get3A_323 = arith.constant 0 : index
    %get3A_324 = arith.constant 0 : index
    %get3A_325 = vector.load %arg13[%get3A_323, %get3A_324] : memref<1280x128xf32, #tpu.memory_space<vmem>>, vector<1280x128xf32>
    %convert_element_type3A_326 = arith.truncf %get3A_325 : vector<1280x128xf32> to vector<1280x128xbf16>
    %get3A_327 = arith.constant 0 : index
    %get3A_328 = arith.constant 0 : index
    %get3A_329 = vector.load %arg4[%get3A_327, %get3A_328] : memref<512x2048xbf16, #tpu.memory_space<vmem>>, vector<512x1152xbf16>
    %slice3A_330 = vector.extract_strided_slice %convert_element_type3A_326 {offsets = [0, 0], sizes = [1152, 128], strides = [1, 1]} : vector<1280x128xbf16> to vector<1152x128xbf16>
    %dot_general3A_331 = arith.constant dense<0.000000e+00> : vector<512x128xf32>
    %dot_general3A_332 = tpu.matmul %get3A_329, %slice3A_330, %dot_general3A_331 {dimension_numbers = #tpu.dot_dimension_numbers<[1], [0], [0], [1], [0, 0, 1, 1], [], []>, transpose_lhs_hint = false} : vector<512x1152xbf16>, vector<1152x128xbf16>, vector<512x128xf32> -> vector<512x128xf32>
    %slice3A_333 = vector.extract_strided_slice %convert_element_type3A_326 {offsets = [1152, 0], sizes = [128, 128], strides = [1, 1]} : vector<1280x128xbf16> to vector<128x128xbf16>
    %dot_general3A_334 = arith.constant dense<0.000000e+00> : vector<512x128xf32>
    %dot_general3A_335 = tpu.matmul %convert_element_type3A_316, %slice3A_333, %dot_general3A_334 {dimension_numbers = #tpu.dot_dimension_numbers<[1], [0], [0], [1], [0, 0, 1, 1], [], []>, transpose_lhs_hint = false} : vector<512x128xbf16>, vector<128x128xbf16>, vector<512x128xf32> -> vector<512x128xf32>
    %add3A_336 = arith.addf %dot_general3A_332, %dot_general3A_335 : vector<512x128xf32>
    %get3A_337 = arith.constant 1280 : index
    %get3A_338 = vector.load %arg2[%get3A_337] : memref<2048xf32, #tpu.memory_space<vmem>>, vector<128xf32>
    %broadcast_in_dim3A_339 = vector.shape_cast %get3A_338 : vector<128xf32> to vector<1x128xf32>
    %add3A_340 = vector.broadcast %broadcast_in_dim3A_339 : vector<1x128xf32> to vector<512x128xf32>
    %add3A_341 = arith.addf %add3A_336, %add3A_340 : vector<512x128xf32>
    %neg3A_342 = arith.constant 0.000000e+00 : f32
    %neg3A_343 = vector.broadcast %neg3A_342 : f32 to vector<512x128xf32>
    %neg3A_344 = arith.subf %neg3A_343, %add3A_341 : vector<512x128xf32>
    %exp3A_345 = math.exp %neg3A_344 : vector<512x128xf32>
    %add3A_346 = arith.constant 1.000000e+00 : f32
    %add3A_347 = vector.broadcast %add3A_346 : f32 to vector<512x128xf32>
    %add3A_348 = arith.addf %add3A_347, %exp3A_345 : vector<512x128xf32>
    %div3A_349 = arith.constant 1.000000e+00 : f32
    %div3A_350 = vector.broadcast %div3A_349 : f32 to vector<512x128xf32>
    %div3A_351 = arith.divf %div3A_350, %add3A_348 : vector<512x128xf32>
    %convert_element_type3A_352 = arith.truncf %div3A_351 : vector<512x128xf32> to vector<512x128xbf16>
    %swap3A_353 = arith.constant 0 : index
    %swap3A_354 = arith.constant 1280 : index
    %swap3A_355 = vector.load %arg4[%swap3A_353, %swap3A_354] : memref<512x2048xbf16, #tpu.memory_space<vmem>>, vector<512x128xbf16>
    tpu.vector_store %arg4[%swap3A_353, %swap3A_354], %convert_element_type3A_352 {strides = array<i32>} : memref<512x2048xbf16, #tpu.memory_space<vmem>>, vector<512x128xbf16>,
    %dma_wait3A_356 = arith.constant 6912 : i32
    %dma_wait3A_357 = arith.constant 0 : i32
    %dma_wait3A_358 = tpu.memref_slice %arg1[%dma_wait3A_356, %dma_wait3A_357] : memref<15232x128xf32, #tpu.memory_space<hbm>> -> memref<1408x128xf32, #tpu.memory_space<hbm>>
    tpu.wait_dma2 semaphore(%arg28 : memref<!tpu.dma_semaphore, #tpu.memory_space<semaphore_mem>>) src(%dma_wait3A_358 : memref<1408x128xf32, #tpu.memory_space<hbm>>) dst(%arg14 : memref<1408x128xf32, #tpu.memory_space<vmem>>)
    %get3A_359 = arith.constant 0 : index
    %get3A_360 = arith.constant 0 : index
    %get3A_361 = vector.load %arg14[%get3A_359, %get3A_360] : memref<1408x128xf32, #tpu.memory_space<vmem>>, vector<1408x128xf32>
    %convert_element_type3A_362 = arith.truncf %get3A_361 : vector<1408x128xf32> to vector<1408x128xbf16>
    %get3A_363 = arith.constant 0 : index
    %get3A_364 = arith.constant 0 : index
    %get3A_365 = vector.load %arg4[%get3A_363, %get3A_364] : memref<512x2048xbf16, #tpu.memory_space<vmem>>, vector<512x1280xbf16>
    %slice3A_366 = vector.extract_strided_slice %convert_element_type3A_362 {offsets = [0, 0], sizes = [1280, 128], strides = [1, 1]} : vector<1408x128xbf16> to vector<1280x128xbf16>
    %dot_general3A_367 = arith.constant dense<0.000000e+00> : vector<512x128xf32>
    %dot_general3A_368 = tpu.matmul %get3A_365, %slice3A_366, %dot_general3A_367 {dimension_numbers = #tpu.dot_dimension_numbers<[1], [0], [0], [1], [0, 0, 1, 1], [], []>, transpose_lhs_hint = false} : vector<512x1280xbf16>, vector<1280x128xbf16>, vector<512x128xf32> -> vector<512x128xf32>
    %slice3A_369 = vector.extract_strided_slice %convert_element_type3A_362 {offsets = [1280, 0], sizes = [128, 128], strides = [1, 1]} : vector<1408x128xbf16> to vector<128x128xbf16>
    %dot_general3A_370 = arith.constant dense<0.000000e+00> : vector<512x128xf32>
    %dot_general3A_371 = tpu.matmul %convert_element_type3A_352, %slice3A_369, %dot_general3A_370 {dimension_numbers = #tpu.dot_dimension_numbers<[1], [0], [0], [1], [0, 0, 1, 1], [], []>, transpose_lhs_hint = false} : vector<512x128xbf16>, vector<128x128xbf16>, vector<512x128xf32> -> vector<512x128xf32>
    %add3A_372 = arith.addf %dot_general3A_368, %dot_general3A_371 : vector<512x128xf32>
    %get3A_373 = arith.constant 1408 : index
    %get3A_374 = vector.load %arg2[%get3A_373] : memref<2048xf32, #tpu.memory_space<vmem>>, vector<128xf32>
    %broadcast_in_dim3A_375 = vector.shape_cast %get3A_374 : vector<128xf32> to vector<1x128xf32>
    %add3A_376 = vector.broadcast %broadcast_in_dim3A_375 : vector<1x128xf32> to vector<512x128xf32>
    %add3A_377 = arith.addf %add3A_372, %add3A_376 : vector<512x128xf32>
    %neg3A_378 = arith.constant 0.000000e+00 : f32
    %neg3A_379 = vector.broadcast %neg3A_378 : f32 to vector<512x128xf32>
    %neg3A_380 = arith.subf %neg3A_379, %add3A_377 : vector<512x128xf32>
    %exp3A_381 = math.exp %neg3A_380 : vector<512x128xf32>
    %add3A_382 = arith.constant 1.000000e+00 : f32
    %add3A_383 = vector.broadcast %add3A_382 : f32 to vector<512x128xf32>
    %add3A_384 = arith.addf %add3A_383, %exp3A_381 : vector<512x128xf32>
    %div3A_385 = arith.constant 1.000000e+00 : f32
    %div3A_386 = vector.broadcast %div3A_385 : f32 to vector<512x128xf32>
    %div3A_387 = arith.divf %div3A_386, %add3A_384 : vector<512x128xf32>
    %convert_element_type3A_388 = arith.truncf %div3A_387 : vector<512x128xf32> to vector<512x128xbf16>
    %swap3A_389 = arith.constant 0 : index
    %swap3A_390 = arith.constant 1408 : index
    %swap3A_391 = vector.load %arg4[%swap3A_389, %swap3A_390] : memref<512x2048xbf16, #tpu.memory_space<vmem>>, vector<512x128xbf16>
    tpu.vector_store %arg4[%swap3A_389, %swap3A_390], %convert_element_type3A_388 {strides = array<i32>} : memref<512x2048xbf16, #tpu.memory_space<vmem>>, vector<512x128xbf16>,
    %dma_wait3A_392 = arith.constant 8320 : i32
    %dma_wait3A_393 = arith.constant 0 : i32
    %dma_wait3A_394 = tpu.memref_slice %arg1[%dma_wait3A_392, %dma_wait3A_393] : memref<15232x128xf32, #tpu.memory_space<hbm>> -> memref<1536x128xf32, #tpu.memory_space<hbm>>
    tpu.wait_dma2 semaphore(%arg29 : memref<!tpu.dma_semaphore, #tpu.memory_space<semaphore_mem>>) src(%dma_wait3A_394 : memref<1536x128xf32, #tpu.memory_space<hbm>>) dst(%arg15 : memref<1536x128xf32, #tpu.memory_space<vmem>>)
    %get3A_395 = arith.constant 0 : index
    %get3A_396 = arith.constant 0 : index
    %get3A_397 = vector.load %arg15[%get3A_395, %get3A_396] : memref<1536x128xf32, #tpu.memory_space<vmem>>, vector<1536x128xf32>
    %convert_element_type3A_398 = arith.truncf %get3A_397 : vector<1536x128xf32> to vector<1536x128xbf16>
    %get3A_399 = arith.constant 0 : index
    %get3A_400 = arith.constant 0 : index
    %get3A_401 = vector.load %arg4[%get3A_399, %get3A_400] : memref<512x2048xbf16, #tpu.memory_space<vmem>>, vector<512x1408xbf16>
    %slice3A_402 = vector.extract_strided_slice %convert_element_type3A_398 {offsets = [0, 0], sizes = [1408, 128], strides = [1, 1]} : vector<1536x128xbf16> to vector<1408x128xbf16>
    %dot_general3A_403 = arith.constant dense<0.000000e+00> : vector<512x128xf32>
    %dot_general3A_404 = tpu.matmul %get3A_401, %slice3A_402, %dot_general3A_403 {dimension_numbers = #tpu.dot_dimension_numbers<[1], [0], [0], [1], [0, 0, 1, 1], [], []>, transpose_lhs_hint = false} : vector<512x1408xbf16>, vector<1408x128xbf16>, vector<512x128xf32> -> vector<512x128xf32>
    %slice3A_405 = vector.extract_strided_slice %convert_element_type3A_398 {offsets = [1408, 0], sizes = [128, 128], strides = [1, 1]} : vector<1536x128xbf16> to vector<128x128xbf16>
    %dot_general3A_406 = arith.constant dense<0.000000e+00> : vector<512x128xf32>
    %dot_general3A_407 = tpu.matmul %convert_element_type3A_388, %slice3A_405, %dot_general3A_406 {dimension_numbers = #tpu.dot_dimension_numbers<[1], [0], [0], [1], [0, 0, 1, 1], [], []>, transpose_lhs_hint = false} : vector<512x128xbf16>, vector<128x128xbf16>, vector<512x128xf32> -> vector<512x128xf32>
    %add3A_408 = arith.addf %dot_general3A_404, %dot_general3A_407 : vector<512x128xf32>
    %get3A_409 = arith.constant 1536 : index
    %get3A_410 = vector.load %arg2[%get3A_409] : memref<2048xf32, #tpu.memory_space<vmem>>, vector<128xf32>
    %broadcast_in_dim3A_411 = vector.shape_cast %get3A_410 : vector<128xf32> to vector<1x128xf32>
    %add3A_412 = vector.broadcast %broadcast_in_dim3A_411 : vector<1x128xf32> to vector<512x128xf32>
    %add3A_413 = arith.addf %add3A_408, %add3A_412 : vector<512x128xf32>
    %neg3A_414 = arith.constant 0.000000e+00 : f32
    %neg3A_415 = vector.broadcast %neg3A_414 : f32 to vector<512x128xf32>
    %neg3A_416 = arith.subf %neg3A_415, %add3A_413 : vector<512x128xf32>
    %exp3A_417 = math.exp %neg3A_416 : vector<512x128xf32>
    %add3A_418 = arith.constant 1.000000e+00 : f32
    %add3A_419 = vector.broadcast %add3A_418 : f32 to vector<512x128xf32>
    %add3A_420 = arith.addf %add3A_419, %exp3A_417 : vector<512x128xf32>
    %div3A_421 = arith.constant 1.000000e+00 : f32
    %div3A_422 = vector.broadcast %div3A_421 : f32 to vector<512x128xf32>
    %div3A_423 = arith.divf %div3A_422, %add3A_420 : vector<512x128xf32>
    %convert_element_type3A_424 = arith.truncf %div3A_423 : vector<512x128xf32> to vector<512x128xbf16>
    %swap3A_425 = arith.constant 0 : index
    %swap3A_426 = arith.constant 1536 : index
    %swap3A_427 = vector.load %arg4[%swap3A_425, %swap3A_426] : memref<512x2048xbf16, #tpu.memory_space<vmem>>, vector<512x128xbf16>
    tpu.vector_store %arg4[%swap3A_425, %swap3A_426], %convert_element_type3A_424 {strides = array<i32>} : memref<512x2048xbf16, #tpu.memory_space<vmem>>, vector<512x128xbf16>,
    %dma_wait3A_428 = arith.constant 9856 : i32
    %dma_wait3A_429 = arith.constant 0 : i32
    %dma_wait3A_430 = tpu.memref_slice %arg1[%dma_wait3A_428, %dma_wait3A_429] : memref<15232x128xf32, #tpu.memory_space<hbm>> -> memref<1664x128xf32, #tpu.memory_space<hbm>>
    tpu.wait_dma2 semaphore(%arg30 : memref<!tpu.dma_semaphore, #tpu.memory_space<semaphore_mem>>) src(%dma_wait3A_430 : memref<1664x128xf32, #tpu.memory_space<hbm>>) dst(%arg16 : memref<1664x128xf32, #tpu.memory_space<vmem>>)
    %get3A_431 = arith.constant 0 : index
    %get3A_432 = arith.constant 0 : index
    %get3A_433 = vector.load %arg16[%get3A_431, %get3A_432] : memref<1664x128xf32, #tpu.memory_space<vmem>>, vector<1664x128xf32>
    %convert_element_type3A_434 = arith.truncf %get3A_433 : vector<1664x128xf32> to vector<1664x128xbf16>
    %get3A_435 = arith.constant 0 : index
    %get3A_436 = arith.constant 0 : index
    %get3A_437 = vector.load %arg4[%get3A_435, %get3A_436] : memref<512x2048xbf16, #tpu.memory_space<vmem>>, vector<512x1536xbf16>
    %slice3A_438 = vector.extract_strided_slice %convert_element_type3A_434 {offsets = [0, 0], sizes = [1536, 128], strides = [1, 1]} : vector<1664x128xbf16> to vector<1536x128xbf16>
    %dot_general3A_439 = arith.constant dense<0.000000e+00> : vector<512x128xf32>
    %dot_general3A_440 = tpu.matmul %get3A_437, %slice3A_438, %dot_general3A_439 {dimension_numbers = #tpu.dot_dimension_numbers<[1], [0], [0], [1], [0, 0, 1, 1], [], []>, transpose_lhs_hint = false} : vector<512x1536xbf16>, vector<1536x128xbf16>, vector<512x128xf32> -> vector<512x128xf32>
    %slice3A_441 = vector.extract_strided_slice %convert_element_type3A_434 {offsets = [1536, 0], sizes = [128, 128], strides = [1, 1]} : vector<1664x128xbf16> to vector<128x128xbf16>
    %dot_general3A_442 = arith.constant dense<0.000000e+00> : vector<512x128xf32>
    %dot_general3A_443 = tpu.matmul %convert_element_type3A_424, %slice3A_441, %dot_general3A_442 {dimension_numbers = #tpu.dot_dimension_numbers<[1], [0], [0], [1], [0, 0, 1, 1], [], []>, transpose_lhs_hint = false} : vector<512x128xbf16>, vector<128x128xbf16>, vector<512x128xf32> -> vector<512x128xf32>
    %add3A_444 = arith.addf %dot_general3A_440, %dot_general3A_443 : vector<512x128xf32>
    %get3A_445 = arith.constant 1664 : index
    %get3A_446 = vector.load %arg2[%get3A_445] : memref<2048xf32, #tpu.memory_space<vmem>>, vector<128xf32>
    %broadcast_in_dim3A_447 = vector.shape_cast %get3A_446 : vector<128xf32> to vector<1x128xf32>
    %add3A_448 = vector.broadcast %broadcast_in_dim3A_447 : vector<1x128xf32> to vector<512x128xf32>
    %add3A_449 = arith.addf %add3A_444, %add3A_448 : vector<512x128xf32>
    %neg3A_450 = arith.constant 0.000000e+00 : f32
    %neg3A_451 = vector.broadcast %neg3A_450 : f32 to vector<512x128xf32>
    %neg3A_452 = arith.subf %neg3A_451, %add3A_449 : vector<512x128xf32>
    %exp3A_453 = math.exp %neg3A_452 : vector<512x128xf32>
    %add3A_454 = arith.constant 1.000000e+00 : f32
    %add3A_455 = vector.broadcast %add3A_454 : f32 to vector<512x128xf32>
    %add3A_456 = arith.addf %add3A_455, %exp3A_453 : vector<512x128xf32>
    %div3A_457 = arith.constant 1.000000e+00 : f32
    %div3A_458 = vector.broadcast %div3A_457 : f32 to vector<512x128xf32>
    %div3A_459 = arith.divf %div3A_458, %add3A_456 : vector<512x128xf32>
    %convert_element_type3A_460 = arith.truncf %div3A_459 : vector<512x128xf32> to vector<512x128xbf16>
    %swap3A_461 = arith.constant 0 : index
    %swap3A_462 = arith.constant 1664 : index
    %swap3A_463 = vector.load %arg4[%swap3A_461, %swap3A_462] : memref<512x2048xbf16, #tpu.memory_space<vmem>>, vector<512x128xbf16>
    tpu.vector_store %arg4[%swap3A_461, %swap3A_462], %convert_element_type3A_460 {strides = array<i32>} : memref<512x2048xbf16, #tpu.memory_space<vmem>>, vector<512x128xbf16>,
    %dma_wait3A_464 = arith.constant 11520 : i32
    %dma_wait3A_465 = arith.constant 0 : i32
    %dma_wait3A_466 = tpu.memref_slice %arg1[%dma_wait3A_464, %dma_wait3A_465] : memref<15232x128xf32, #tpu.memory_space<hbm>> -> memref<1792x128xf32, #tpu.memory_space<hbm>>
    tpu.wait_dma2 semaphore(%arg31 : memref<!tpu.dma_semaphore, #tpu.memory_space<semaphore_mem>>) src(%dma_wait3A_466 : memref<1792x128xf32, #tpu.memory_space<hbm>>) dst(%arg17 : memref<1792x128xf32, #tpu.memory_space<vmem>>)
    %get3A_467 = arith.constant 0 : index
    %get3A_468 = arith.constant 0 : index
    %get3A_469 = vector.load %arg17[%get3A_467, %get3A_468] : memref<1792x128xf32, #tpu.memory_space<vmem>>, vector<1792x128xf32>
    %convert_element_type3A_470 = arith.truncf %get3A_469 : vector<1792x128xf32> to vector<1792x128xbf16>
    %get3A_471 = arith.constant 0 : index
    %get3A_472 = arith.constant 0 : index
    %get3A_473 = vector.load %arg4[%get3A_471, %get3A_472] : memref<512x2048xbf16, #tpu.memory_space<vmem>>, vector<512x1664xbf16>
    %slice3A_474 = vector.extract_strided_slice %convert_element_type3A_470 {offsets = [0, 0], sizes = [1664, 128], strides = [1, 1]} : vector<1792x128xbf16> to vector<1664x128xbf16>
    %dot_general3A_475 = arith.constant dense<0.000000e+00> : vector<512x128xf32>
    %dot_general3A_476 = tpu.matmul %get3A_473, %slice3A_474, %dot_general3A_475 {dimension_numbers = #tpu.dot_dimension_numbers<[1], [0], [0], [1], [0, 0, 1, 1], [], []>, transpose_lhs_hint = false} : vector<512x1664xbf16>, vector<1664x128xbf16>, vector<512x128xf32> -> vector<512x128xf32>
    %slice3A_477 = vector.extract_strided_slice %convert_element_type3A_470 {offsets = [1664, 0], sizes = [128, 128], strides = [1, 1]} : vector<1792x128xbf16> to vector<128x128xbf16>
    %dot_general3A_478 = arith.constant dense<0.000000e+00> : vector<512x128xf32>
    %dot_general3A_479 = tpu.matmul %convert_element_type3A_460, %slice3A_477, %dot_general3A_478 {dimension_numbers = #tpu.dot_dimension_numbers<[1], [0], [0], [1], [0, 0, 1, 1], [], []>, transpose_lhs_hint = false} : vector<512x128xbf16>, vector<128x128xbf16>, vector<512x128xf32> -> vector<512x128xf32>
    %add3A_480 = arith.addf %dot_general3A_476, %dot_general3A_479 : vector<512x128xf32>
    %get3A_481 = arith.constant 1792 : index
    %get3A_482 = vector.load %arg2[%get3A_481] : memref<2048xf32, #tpu.memory_space<vmem>>, vector<128xf32>
    %broadcast_in_dim3A_483 = vector.shape_cast %get3A_482 : vector<128xf32> to vector<1x128xf32>
    %add3A_484 = vector.broadcast %broadcast_in_dim3A_483 : vector<1x128xf32> to vector<512x128xf32>
    %add3A_485 = arith.addf %add3A_480, %add3A_484 : vector<512x128xf32>
    %neg3A_486 = arith.constant 0.000000e+00 : f32
    %neg3A_487 = vector.broadcast %neg3A_486 : f32 to vector<512x128xf32>
    %neg3A_488 = arith.subf %neg3A_487, %add3A_485 : vector<512x128xf32>
    %exp3A_489 = math.exp %neg3A_488 : vector<512x128xf32>
    %add3A_490 = arith.constant 1.000000e+00 : f32
    %add3A_491 = vector.broadcast %add3A_490 : f32 to vector<512x128xf32>
    %add3A_492 = arith.addf %add3A_491, %exp3A_489 : vector<512x128xf32>
    %div3A_493 = arith.constant 1.000000e+00 : f32
    %div3A_494 = vector.broadcast %div3A_493 : f32 to vector<512x128xf32>
    %div3A_495 = arith.divf %div3A_494, %add3A_492 : vector<512x128xf32>
    %convert_element_type3A_496 = arith.truncf %div3A_495 : vector<512x128xf32> to vector<512x128xbf16>
    %swap3A_497 = arith.constant 0 : index
    %swap3A_498 = arith.constant 1792 : index
    %swap3A_499 = vector.load %arg4[%swap3A_497, %swap3A_498] : memref<512x2048xbf16, #tpu.memory_space<vmem>>, vector<512x128xbf16>
    tpu.vector_store %arg4[%swap3A_497, %swap3A_498], %convert_element_type3A_496 {strides = array<i32>} : memref<512x2048xbf16, #tpu.memory_space<vmem>>, vector<512x128xbf16>,
    %swap3A_500 = arith.constant 0 : index
    %swap3A_501 = arith.constant 0 : index
    %swap3A_502 = vector.load %arg3[%swap3A_500, %swap3A_501] : memref<512x256xf32, #tpu.memory_space<vmem>>, vector<512x128xf32>
    tpu.vector_store %arg3[%swap3A_500, %swap3A_501], %div3A_495 {strides = array<i32>} : memref<512x256xf32, #tpu.memory_space<vmem>>, vector<512x128xf32>,
    %dma_wait3A_503 = arith.constant 13312 : i32
    %dma_wait3A_504 = arith.constant 0 : i32
    %dma_wait3A_505 = tpu.memref_slice %arg1[%dma_wait3A_503, %dma_wait3A_504] : memref<15232x128xf32, #tpu.memory_space<hbm>> -> memref<1920x128xf32, #tpu.memory_space<hbm>>
    tpu.wait_dma2 semaphore(%arg32 : memref<!tpu.dma_semaphore, #tpu.memory_space<semaphore_mem>>) src(%dma_wait3A_505 : memref<1920x128xf32, #tpu.memory_space<hbm>>) dst(%arg18 : memref<1920x128xf32, #tpu.memory_space<vmem>>)
    %get3A_506 = arith.constant 0 : index
    %get3A_507 = arith.constant 0 : index
    %get3A_508 = vector.load %arg18[%get3A_506, %get3A_507] : memref<1920x128xf32, #tpu.memory_space<vmem>>, vector<1920x128xf32>
    %convert_element_type3A_509 = arith.truncf %get3A_508 : vector<1920x128xf32> to vector<1920x128xbf16>
    %get3A_510 = arith.constant 0 : index
    %get3A_511 = arith.constant 0 : index
    %get3A_512 = vector.load %arg4[%get3A_510, %get3A_511] : memref<512x2048xbf16, #tpu.memory_space<vmem>>, vector<512x1792xbf16>
    %slice3A_513 = vector.extract_strided_slice %convert_element_type3A_509 {offsets = [0, 0], sizes = [1792, 128], strides = [1, 1]} : vector<1920x128xbf16> to vector<1792x128xbf16>
    %dot_general3A_514 = arith.constant dense<0.000000e+00> : vector<512x128xf32>
    %dot_general3A_515 = tpu.matmul %get3A_512, %slice3A_513, %dot_general3A_514 {dimension_numbers = #tpu.dot_dimension_numbers<[1], [0], [0], [1], [0, 0, 1, 1], [], []>, transpose_lhs_hint = false} : vector<512x1792xbf16>, vector<1792x128xbf16>, vector<512x128xf32> -> vector<512x128xf32>
    %slice3A_516 = vector.extract_strided_slice %convert_element_type3A_509 {offsets = [1792, 0], sizes = [128, 128], strides = [1, 1]} : vector<1920x128xbf16> to vector<128x128xbf16>
    %dot_general3A_517 = arith.constant dense<0.000000e+00> : vector<512x128xf32>
    %dot_general3A_518 = tpu.matmul %convert_element_type3A_496, %slice3A_516, %dot_general3A_517 {dimension_numbers = #tpu.dot_dimension_numbers<[1], [0], [0], [1], [0, 0, 1, 1], [], []>, transpose_lhs_hint = false} : vector<512x128xbf16>, vector<128x128xbf16>, vector<512x128xf32> -> vector<512x128xf32>
    %add3A_519 = arith.addf %dot_general3A_515, %dot_general3A_518 : vector<512x128xf32>
    %get3A_520 = arith.constant 1920 : index
    %get3A_521 = vector.load %arg2[%get3A_520] : memref<2048xf32, #tpu.memory_space<vmem>>, vector<128xf32>
    %broadcast_in_dim3A_522 = vector.shape_cast %get3A_521 : vector<128xf32> to vector<1x128xf32>
    %add3A_523 = vector.broadcast %broadcast_in_dim3A_522 : vector<1x128xf32> to vector<512x128xf32>
    %add3A_524 = arith.addf %add3A_519, %add3A_523 : vector<512x128xf32>
    %neg3A_525 = arith.constant 0.000000e+00 : f32
    %neg3A_526 = vector.broadcast %neg3A_525 : f32 to vector<512x128xf32>
    %neg3A_527 = arith.subf %neg3A_526, %add3A_524 : vector<512x128xf32>
    %exp3A_528 = math.exp %neg3A_527 : vector<512x128xf32>
    %add3A_529 = arith.constant 1.000000e+00 : f32
    %add3A_530 = vector.broadcast %add3A_529 : f32 to vector<512x128xf32>
    %add3A_531 = arith.addf %add3A_530, %exp3A_528 : vector<512x128xf32>
    %div3A_532 = arith.constant 1.000000e+00 : f32
    %div3A_533 = vector.broadcast %div3A_532 : f32 to vector<512x128xf32>
    %div3A_534 = arith.divf %div3A_533, %add3A_531 : vector<512x128xf32>
    %convert_element_type3A_535 = arith.truncf %div3A_534 : vector<512x128xf32> to vector<512x128xbf16>
    %swap3A_536 = arith.constant 0 : index
    %swap3A_537 = arith.constant 1920 : index
    %swap3A_538 = vector.load %arg4[%swap3A_536, %swap3A_537] : memref<512x2048xbf16, #tpu.memory_space<vmem>>, vector<512x128xbf16>
    tpu.vector_store %arg4[%swap3A_536, %swap3A_537], %convert_element_type3A_535 {strides = array<i32>} : memref<512x2048xbf16, #tpu.memory_space<vmem>>, vector<512x128xbf16>,
    %swap3A_539 = arith.constant 0 : index
    %swap3A_540 = arith.constant 128 : index
    %swap3A_541 = vector.load %arg3[%swap3A_539, %swap3A_540] : memref<512x256xf32, #tpu.memory_space<vmem>>, vector<512x128xf32>
    tpu.vector_store %arg3[%swap3A_539, %swap3A_540], %div3A_534 {strides = array<i32>} : memref<512x256xf32, #tpu.memory_space<vmem>>, vector<512x128xf32>,
    return
  }
}

</mosaic_0001>

<sc_bundles>
// kernel: kernel.4.cloned.1.call-start
scs
__scs_entry_jumppad:
0x0: {  	(pc) =	sbr.rel $0x88, $3  }
0x1: {  	(tag) =	ssettag $0x0;
	lr =	simm.s32 $0x1  }
0x2: {  	[smem:$0x3F9D] =	sst lr;
	_ =	strace $0xD0000000  }
0x3: {  	_ = 	snop  }
0x4: {  	_ = 	snop  }
0x5: {  	_ = 	snop  }
0x6: {  	_ = 	snop  }
0x7: {  	_ = 	snop  }
__scs_overlays_trampoline_lowered:
0x8: {  	[smem:$0x3FAC] =	sst s0  }
0x9: {  	[smem:$0x3FAD] =	sst s1  }
0xa: {  	[smem:$0x3FAE] =	sst s2  }
0xb: {  	[smem:$0x3FAF] =	sst s3  }
0xc: {  	[smem:$0x3FB0] =	sst s4  }
0xd: {  	[smem:$0x3FB1] =	sst s5  }
0xe: {  	[smem:$0x3FB2] =	sst s6  }
0xf: {  	[smem:$0x3FB3] =	sst s7  }
0x10: {  	[smem:$0x3FB4] =	sst s8  }
0x11: {  	[smem:$0x3FB5] =	sst s9;
	s0 =	simm.s32 @!p0 $0x0  }
0x12: {  	s1 =	sld [smem:$0x3F9B];
	s0 =	simm.s32 @p0 $0x1  }
0x13: {  	[smem:$0x3FB6] =	sst s0;
	s0 =	simm.s32 @!p1 $0x0  }
0x14: {  	s2 =	sld [smem:$0x3F9A];
	s0 =	simm.s32 @p1 $0x1  }
0x15: {  	[smem:$0x3FB7] =	sst s0;
	s0 =	simm.s32 @!p2 $0x0  }
0x16: {  	s3 =	sld [smem:$0x3FDB];
	s0 =	simm.s32 @p2 $0x1  }
0x17: {  	s4 =	simm.s32 $0x1BF5;
	[smem:$0x3FB9] =	sst s0  }
0x18: {  	s0 =	sld [smem:$0x3F9C];
	_ =	swait.ge [sflag:s4], $0x0  }
0x19: {  	s7 =	sld [smem:$0x3F9D]  }
0x1a: {  	s8 =	sadd.s32 $0xFFFFE003, lr  }
0x1b: {  	s9 =	sadd.s32 $0xFFFFFEF7, lr;
	s5 =	simm.s32 $0xFFFFFFFF;
	p2 =	slt.u32 s8, $0xFFFFF086  }
0x1c: {  	p1 =	slt.u32 s9, $0xF7A;
	s5 =	simm.s32 @!p2 $0x0  }
0x1d: {  	s5 =	simm.s32 @p1 $0x1;
	p0 =	seq.s32 s7, s2  }
0x1e: {  	s7 =	smul.u32 @!p0 $0xF7A, s2;
	p2 =	seq.s32 @!p0 s5, $0x0  }
0x1f: {  	s9 =	smul.u32 $0xF7A, s1;
	s8 =	simm.s32 @!p0 $0x1BF5;
	p2 =	por !p2, p0  }
0x20: {  	[sflag:s8] =	ssyncset.s32 @!p0 $0xFFFFF086;
	s6 =	sadd.s32 @!p0 s3, s7;
	s7 =	simm.s32 @!p0 $0x108  }
0x21: {  	s3 =	sadd.s32 s3, s9;
	s6 =	sadd.s32 @!p0 $0x88, s6;
	s7 =	simm.s32 @p2 $0x1082  }
0x22: {  	[simem:s7], [sflag:s8] =	dma.local @!p0 [hbm:s6], $0xF7A  }
0x23: {  	s9 =	sor.u32 $0xD0000000, s2;
	s6 =	simm.s32 $0x108;
	_ =	swait.ge @!p0 [sflag:s8], $0x0  }
0x24: {  	s3 =	sadd.s32 $0x88, s3;
	s6 =	simm.s32 @!p1 $0x1082;
	[sflag:s4] =	ssyncset.s32 $0xFFFFF086  }
0x25: {  	[simem:s6], [sflag:s4] =	dma.local [hbm:s3], $0xF7A  }
0x26: {  	[smem:$0x3F9D] =	sst s1;
	(tag) =	ssettag s2;
	_ =	strace s9  }
0x27: {  	s1 =	sld [smem:$0x3FAD]  }
0x28: {  	s2 =	sld [smem:$0x3FAE]  }
0x29: {  	s4 =	sld [smem:$0x3FB0]  }
0x2a: {  	p0 =	seq.s32 s5, $0x0;
	s5 =	sld [smem:$0x3FB1]  }
0x2b: {  	s6 =	sld [smem:$0x3FB2]  }
0x2c: {  	s7 =	sld [smem:$0x3FB3]  }
0x2d: {  	s3 =	simm.s32 $0x108;
	s8 =	sld [smem:$0x3FB4]  }
0x2e: {  	s3 =	simm.s32 @!p0 $0x1082;
	s9 =	sld [smem:$0x3FB5]  }
0x2f: {  	lr =	sadd.s32 s0, s3;
	s0 =	sld [smem:$0x3FAC]  }
0x30: {  	s3 =	sld [smem:$0x3FAF]  }
0x31: {  	[smem:$0x3FB8] =	sst s10  }
0x32: {  	s10 =	sld [smem:$0x3FB6];
	_ =	sdelay $0x3  }
0x33: {  	p0 =	seq.s32 s10, $0x1;
	s10 =	sld [smem:$0x3FB8];
	_ =	sdelay $0x3  }
0x34: {  	[smem:$0x3FB8] =	sst s10  }
0x35: {  	s10 =	sld [smem:$0x3FB7];
	_ =	sdelay $0x3  }
0x36: {  	p1 =	seq.s32 s10, $0x1;
	s10 =	sld [smem:$0x3FB8];
	_ =	sdelay $0x3  }
0x37: {  	[smem:$0x3FB8] =	sst s10  }
0x38: {  	s10 =	sld [smem:$0x3FB9]  }
0x39: {  	_ = 	snop;
	(pc) =	sbr.ind lr, $3  }
0x3a: {  	_ = 	snop  }
0x3b: {  	_ = 	snop  }
0x3c: {  	p2 =	seq.s32 s10, $0x1;
	s10 =	sld [smem:$0x3FB8]  }
0x3d: {  	_ =	shalt  }
0x3e: {  	_ =	shalt  }
0x3f: {  	_ =	shalt  }
0x40: {  	_ =	shalt  }
0x41: {  	_ =	shalt  }
0x42: {  	_ =	shalt  }
0x43: {  	_ =	shalt  }
0x44: {  	_ =	shalt  }
0x45: {  	_ =	shalt  }
0x46: {  	_ =	shalt  }
0x47: {  	_ =	shalt  }
0x48: {  	_ =	shalt  }
0x49: {  	_ =	shalt  }
0x4a: {  	_ =	shalt  }
0x4b: {  	_ =	shalt  }
0x4c: {  	_ =	shalt  }
0x4d: {  	_ =	shalt  }
0x4e: {  	_ =	shalt  }
0x4f: {  	_ =	shalt  }
0x50: {  	_ =	shalt  }
0x51: {  	_ =	shalt  }
0x52: {  	_ =	shalt  }
0x53: {  	_ =	shalt  }
0x54: {  	_ =	shalt  }
0x55: {  	_ =	shalt  }
0x56: {  	_ =	shalt  }
0x57: {  	_ =	shalt  }
0x58: {  	_ =	shalt  }
0x59: {  	_ =	shalt  }
0x5a: {  	_ =	shalt  }
0x5b: {  	_ =	shalt  }
0x5c: {  	_ =	shalt  }
0x5d: {  	_ =	shalt  }
0x5e: {  	_ =	shalt  }
0x5f: {  	_ =	shalt  }
0x60: {  	_ =	shalt  }
0x61: {  	_ =	shalt  }
0x62: {  	_ =	shalt  }
0x63: {  	_ =	shalt  }
0x64: {  	_ =	shalt  }
0x65: {  	_ =	shalt  }
0x66: {  	_ =	shalt  }
0x67: {  	_ =	shalt  }
0x68: {  	_ =	shalt  }
0x69: {  	_ =	shalt  }
0x6a: {  	_ =	shalt  }
0x6b: {  	_ =	shalt  }
0x6c: {  	_ =	shalt  }
0x6d: {  	_ =	shalt  }
0x6e: {  	_ =	shalt  }
0x6f: {  	_ =	shalt  }
0x70: {  	_ =	shalt  }
0x71: {  	_ =	shalt  }
0x72: {  	_ =	shalt  }
0x73: {  	_ =	shalt  }
0x74: {  	_ =	shalt  }
0x75: {  	_ =	shalt  }
0x76: {  	_ =	shalt  }
0x77: {  	_ =	shalt  }
0x78: {  	_ =	shalt  }
0x79: {  	_ =	shalt  }
0x7a: {  	_ =	shalt  }
0x7b: {  	_ =	shalt  }
0x7c: {  	_ =	shalt  }
0x7d: {  	_ =	shalt  }
0x7e: {  	_ =	shalt  }
0x7f: {  	_ =	shalt  }
0x80: {  	_ =	shalt  }
0x81: {  	_ =	shalt  }
0x82: {  	_ =	shalt  }
0x83: {  	_ =	shalt  }
0x84: {  	_ =	shalt  }
0x85: {  	_ =	shalt  }
0x86: {  	_ =	shalt  }
0x87: {  	_ =	shalt  }
.Lfunc_end0:
.L_simem_size_0:
called_computation_lowered:
.L_overlay_start_0:
0x88: {  	s2 =	sld [smem:$0x3FD9]  }
0x89: {  	s3 =	sld [smem:$0x3FFE];
	_ =	sdelay $0x1  }
0x8a: {  	s1 =	srdreg.scid  }
0x8b: {  	s0 =	sand.u32 $0x1, s1  }
0x8c: {  	s17 =	sshll.u32 s0, $0xA;
	s2 =	sadd.s32 s3, s2  }
0x8d: {  	s2 =	sadd.s32 s2, s17  }
0x8e: {  	[smem:$0x3FC4] =	sst s2  }
0x8f: {  	_ = 	snop  }
0x90: {  	s2 =	sld [smem:$0x3FC8]  }
0x91: {  	s18 =	sld [smem:$0x3FC7];
	(tm) =	ssettm $0x1  }
0x92: {  	s4 =	sld [smem:$0x3FFB];
	_ =	sdelay $0x3  }
0x93: {  	_ =	strace s4  }
0x94: {  	s4 =	sld [smem:$0x3FFC];
	_ =	sdelay $0x3  }
0x95: {  	_ =	strace s4  }
0x96: {  	s4 =	sld [smem:$0x3FFD];
	_ =	sdelay $0x3  }
0x97: {  	_ =	strace s4  }
0x98: {  	_ =	strace $0x8FFFFFFF  }
0x99: {  	s19 =	sld [smem:$0x3FDB];
	_ =	sdelay $0x1  }
0x9a: {  	s5 =	simm.s32 $_scs_section_size  }
0x9b: {  	s6 =	simm.s32 $_size__tile_overlayer_lowered;
	s7 =	simm.s32 $_tile_overlayer_lowered  }
0x9c: {  	s22 =	simm.s32 $0x1BFF;
	s21 =	sshll.u32 s7, $0x1;
	s4 =	sadd.s32 s5, s19  }
0x9d: {  	s8 =	simm.s32 $0x0;
	s20 =	sshll.u32 s6, $0x1;
	s6 =	sadd.s32 s21, s4  }
0x9e: {  	[timem:s8], [sflag:s22] =	dma.local [hbm:s6], s20  }
0x9f: {  	_ =	swait.ge [sflag:s22], s20  }
0xa0: {  	s5 =	ssub.s32 $0x0, s20;
	[sflag:s22] =	ssyncset.done $0x0  }
0xa1: {  	[sflag:s22] =	ssyncadd.s32 s5;
	_ =	sdelay $0x1  }
0xa2: {  	s23 =	simm.s32 $0x1B8B  }
0xa3: {  	_ =	swait.ge [sflag:s23], $0x1  }
0xa4: {  	[sflag:s23] =	ssyncset.done $0x0  }
0xa5: {  	s25 =	simm.s32 $0x1B8E;
	s24 =	sld [smem:$0x3FFE];
	[sflag:s23] =	ssyncadd.s32 $0xFFFFFFFF  }
0xa6: {  	s26 =	simm.s32 $execute0_lowered;
	[smem:$0x3FD2] =	sst s25  }
0xa7: {  	s6 =	sshll.u32 s26, $0x1;
	_ =	strace $0x80000046;
	[dreg:$0x1] =	wrdreg $0xFFFFFFFF  }
0xa8: {  	s28 =	simm.s32 $_size_execute0_lowered;
	s4 =	sadd.s32 s4, s6;
	[dreg:$0x0] =	wrdreg $0x0  }
0xa9: {  	s6 =	sshll.u32 s28, $0x1;
	[dreg:$0x2] =	wrdreg s4  }
0xaa: {  	[dreg:$0x3] =	wrdreg s6  }
0xab: {  	[dreg:$0x4] =	wrdreg $0xC0  }
0xac: {  	_ =	task [dreg:s8], $0x5FFFF  }
0xad: {  	[dreg:$0x1] =	wrdreg $0xFFFFFFFF  }
0xae: {  	[dreg:$0x0] =	wrdreg $0x60  }
0xaf: {  	[dreg:$0x2] =	wrdreg s2  }
0xb0: {  	[dreg:$0x3] =	wrdreg s18  }
0xb1: {  	[dreg:$0x4] =	wrdreg s24  }
0xb2: {  	[dreg:$0x5] =	wrdreg $0x4E000  }
0xb3: {  	[dreg:$0x6] =	wrdreg $0x9  }
0xb4: {  	_ =	task.clear_ibuf [dreg:s8], $0x7FFFF;
	_ =	strace $0x90000046  }
0xb5: {  	s29 =	simm.s32 $0x9;
	_ =	strace $0x80000048  }
0xb6: {  	_ =	swait.ge [sflag:s29], $0x1  }
0xb7: {  	[sflag:s29] =	ssyncadd.s32 $0xFFFFFFFF  }
0xb8: {  	_ =	strace $0x90000048  }
0xb9: {  	_ =	sfence  }
0xba: {  	s30 =	sld [smem:$0x0];
	_ =	sdelay $0x2  }
0xbb: {  	s31 =	sshll.u32 s1, $0xD;
	s1 =	sshrl.u32 s1, $0x2  }
0xbc: {  	s3 =	sand.u32 $0x4000, s31;
	s1 =	sadd.s32 s1, s30  }
0xbd: {  	s0 =	sor.u32 s3, s0;
	s1 =	sshll.u32 s1, $0x11  }
0xbe: {  	s0 =	sor.u32 s1, s0  }
0xbf: {  	s0 =	sadd.s32 $0x8F2B, s0  }
0xc0: {  	[sflag:s0] =	ssyncadd.remote.s32 $0x1  }
0xc1: {  	_ =	sfence.sel $0xFFFF  }
0xc2: {  	[dreg:$0x0] =	wrdreg $0xFFFFFFFF;
	(pc) =	sbr.abs _section_cstart, $3  }
0xc3: {  	[dreg:$0x1] =	wrdreg $0xFFFFFFFF  }
0xc4: {  	_ =	task.clear_ibuf [dreg:s8], $0x2FFFF;
	_ =	strace $0x9FFFFFFF  }
0xc5: {  	(tm) =	ssettm $0x7FFFFFFF  }
tec
execute0_lowered:
.L_overlay_start_1:
0x0: {  	(tag) =	ssettag $0x1  }
0x1: {  	s0 =	rddreg [dreg:$0x0]  }
0x2: {  	s3 =	rddreg [dreg:$0x1]  }
0x3: {  	s4 =	rddreg [dreg:$0x2]  }
0x4: {  	s2 =	rddreg [dreg:$0x3];
	s6 =	simm.s32 $0x0  }
0x5: {  	s5 =	srdreg.scid;
	s1 =	stileid.u32;
	s28 =	simm.s32 $0x3A00  }
0x6: {  	s29 =	simm.s32 $0x1;
	s30 =	simm.s32 $0x2;
	s21 =	smul.u32 $0x380, s1  }
0x7: {  	s31 =	simm.s32 $0x3;
	[smem:$0x7FF] =	sst s6;
	s8 =	smul.u32 $0xF000, s1  }
0x8: {  	s20 =	sand.u32 $0x1, s5;
	s9 =	sadd.s32 $0xA00, s4;
	s10 =	smul.u32 $0x1C0, s1  }
0x9: {  	s13 =	smul.u32 $0xEC00, s1;
	_ =	strace $0x80000047;
	s7 =	ssub.s32 $0x2, s20  }
0xa: {  	s14 =	smul.u32 $0xFFF10000, s20;
	p0 =	seq.s32 s20, $0x0;
	s22 =	sshrl.u32 s7, $0x1  }
0xb: {  	s4 =	sadd.s32 s0, s21;
	s5 =	sadd.s32 s8, s2;
	s23 =	sadd.s32 s3, s10  }
0xc: {  	s8 =	sshrl.u32 s8, $0x3;
	s0 =	sadd.s32 $0x10, s4;
	[dreg:$0x6] =	wrdreg s23  }
0xd: {  	s7 =	ssub.s32 s7, s22;
	s24 =	sadd.s32 $0x1400, s5;
	[dreg:$0x5] =	wrdreg s0  }
0xe: {  	s25 =	sadd.s32 $0x2800, s5;
	s26 =	sadd.s32 $0x3C00, s5;
	[dreg:$0x7] =	wrdreg s24  }
0xf: {  	s3 =	sadd.s32 $0x5000, s5;
	s10 =	sadd.s32 $0x6400, s5;
	[dreg:$0x8] =	wrdreg s25  }
0x10: {  	s11 =	sadd.s32 $0x7800, s5;
	s12 =	sadd.s32 $0x8C00, s5;
	[dreg:$0x9] =	wrdreg s26  }
0x11: {  	s15 =	sadd.s32 $0xA000, s5;
	s16 =	sadd.s32 $0xB400, s5;
	[dreg:$0xa] =	wrdreg s3  }
0x12: {  	s17 =	sadd.s32 $0xC800, s5;
	s18 =	sadd.s32 $0xDC00, s5;
	[dreg:$0xb] =	wrdreg s10  }
0x13: {  	s19 =	sadd.s32 s9, s8;
	s8 =	sadd.s32 s13, s2;
	[dreg:$0xc] =	wrdreg s11  }
0x14: {  	s23 =	simm.s32 $0x80;
	[dreg:$0xd] =	wrdreg s12;
	s25 =	sshrl.u32 s13, $0x3  }
0x15: {  	s3 =	simm.s32 $0xF0000;
	s26 =	sshll.u32 s1, $0x6;
	s21 =	smax.u32 s7, $0x1  }
0x16: {  	s24 =	simm.s32 $0x100;
	s0 =	simm.s32 $0x0;
	s11 =	sadd.s32 s9, s25  }
0x17: {  	v0 =	vlaneseq.u32;
	v3 =	vimm.f32 $0.0e+00;
	s3 =	simm.s32 @!p0 $0xEC000;
	p0 =	sne.s32 s20, $0x0;
	s6 =	sor.u32 $0xF0000, s26  }
0x18: {  	v1 =	vmov s14;
	s26 =	simm.s32 $0x1C00;
	s20 =	sadd.s32 $0x1E000, s11;
	s22 =	sshrl.u32 @p0 s8, $0x3;
	v0 =	vor.u32 s6, v0;
	v2 =	vmov s3  }
.LBB2_1:
0x19: {  	s3 =	simm.s32 $0x0  }
0x1a: {  	[tilespmem:s3], [sflag:$0x1] =	stream.strided.gather [hbm4b:s4+s23], $0xE00, s24, s23, $0x38;
	[tilespmem:$0x13E40] =	vst v63  }
0x1b: {  	s6 =	rddreg [dreg:$0x5];
	s7 =	simm.s32 $0xE00  }
0x1c: {  	[tilespmem:s7], [sflag:$0x1] =	stream.strided.gather [hbm4b:s6+s23], $0xE00, s24, s23, $0x38;
	[tilespmem:$0x13E40] =	vst v63  }
0x1d: {  	s25 =	rddreg [dreg:$0x6]  }
0x1e: {  	[tilespmem:s26], [sflag:$0x1] =	stream.linear.gather [hbm4b:s25+s3], $0xE00, $0x38;
	[tilespmem:$0x13E40] =	vst v63  }
0x1f: {  	s3 =	simm.s32 $0x3A20  }
0x20: {  	[tilespmem:s3+$0xFFFFFFE0] =	vst v3  }
0x21: {  	[tilespmem:s3+$0x10] =	vst v3  }
0x22: {  	s6 =	simm.s32 $0x0;
	[tilespmem:s3+$0x0] =	vst v3  }
.LBB2_2:
0x23: {  	s6 =	sadd.s32 $0x40, s6  }
0x24: {  	[tilespmem:s3+$0xFFFFFFF0] =	vst v3;
	s3 =	sadd.s32 $0x40, s3;
	p1 =	slt.u32 s6, $0x13C0  }
.Ltmp0:
0x25: {  	[tilespmem:s3+$0xFFFFFFE0] =	vst v3;
	(pc) =	sbr.rel @p1 .LBB2_2-.Ltmp0, $3  }
0x26: {  	_ =	sdelay $0x1  }
0x27: {  	[tilespmem:s3+$0x10] =	vst v3  }
0x28: {  	[tilespmem:s3+$0x0] =	vst v3  }
0x29: {  	[tilespmem:s3+$0xFFFFFFF0] =	vst v3  }
0x2a: {  	[spmem:s5] =	stream.linear.scatter [tilespmem:s28], [sflag:$0x2], $0x1400, $0x38;
	[tilespmem:$0x13E40] =	vst v63  }
0x2b: {  	s3 =	rddreg [dreg:$0x7]  }
0x2c: {  	[spmem:s3] =	stream.linear.scatter [tilespmem:s28], [sflag:$0x2], $0x1400, $0x38;
	[tilespmem:$0x13E40] =	vst v63  }
0x2d: {  	s13 =	rddreg [dreg:$0x8]  }
0x2e: {  	[spmem:s13] =	stream.linear.scatter [tilespmem:s28], [sflag:$0x2], $0x1400, $0x38;
	[tilespmem:$0x13E40] =	vst v63  }
0x2f: {  	s14 =	rddreg [dreg:$0x9]  }
0x30: {  	[spmem:s14] =	stream.linear.scatter [tilespmem:s28], [sflag:$0x2], $0x1400, $0x38;
	[tilespmem:$0x13E40] =	vst v63  }
0x31: {  	s25 =	rddreg [dreg:$0xa]  }
0x32: {  	[spmem:s25] =	stream.linear.scatter [tilespmem:s28], [sflag:$0x2], $0x1400, $0x38;
	[tilespmem:$0x13E40] =	vst v63  }
0x33: {  	s6 =	rddreg [dreg:$0xb]  }
0x34: {  	[spmem:s6] =	stream.linear.scatter [tilespmem:s28], [sflag:$0x2], $0x1400, $0x38;
	[tilespmem:$0x13E40] =	vst v63  }
0x35: {  	s7 =	rddreg [dreg:$0xc]  }
0x36: {  	[spmem:s7] =	stream.linear.scatter [tilespmem:s28], [sflag:$0x2], $0x1400, $0x38;
	[tilespmem:$0x13E40] =	vst v63  }
0x37: {  	s8 =	rddreg [dreg:$0xd]  }
0x38: {  	[spmem:s8] =	stream.linear.scatter [tilespmem:s28], [sflag:$0x2], $0x1400, $0x38;
	[tilespmem:$0x13E40] =	vst v63  }
0x39: {  	_ = 	snop  }
0x3a: {  	[spmem:s15] =	stream.linear.scatter [tilespmem:s28], [sflag:$0x2], $0x1400, $0x38;
	[tilespmem:$0x13E40] =	vst v63  }
0x3b: {  	_ = 	snop  }
0x3c: {  	[spmem:s16] =	stream.linear.scatter [tilespmem:s28], [sflag:$0x2], $0x1400, $0x38;
	[tilespmem:$0x13E40] =	vst v63  }
0x3d: {  	_ = 	snop  }
0x3e: {  	[spmem:s17] =	stream.linear.scatter [tilespmem:s28], [sflag:$0x2], $0x1400, $0x38;
	[tilespmem:$0x13E40] =	vst v63  }
0x3f: {  	_ = 	snop  }
0x40: {  	[spmem:s18] =	stream.linear.scatter [tilespmem:s28], [sflag:$0x2], $0x1400, $0x38;
	[tilespmem:$0x13E40] =	vst v63  }
0x41: {  	_ =	swait.ge [sflag:s29], $0xE00  }
0x42: {  	[sflag:s29] =	ssyncset.done $0x0  }
0x43: {  	[sflag:s29] =	ssyncadd.s32 $0xFFFFF200  }
0x44: {  	_ =	swait.ge [sflag:s29], $0xE00  }
0x45: {  	[sflag:s29] =	ssyncset.done $0x0  }
0x46: {  	s9 =	simm.s32 $0x10;
	[sflag:s29] =	ssyncadd.s32 $0xFFFFF200  }
0x47: {  	v4 =	vld [tilespmem:s9+$0x0]  }
0x48: {  	s6 =	simm.s32 $0xE10;
	v5 =	vld [tilespmem:s9+$0xFFFFFFF0]  }
0x49: {  	s10 =	simm.s32 $0x30;
	v7 =	vld [tilespmem:s6+$0x0]  }
0x4a: {  	v15 =	vld [tilespmem:s10+$0x0]  }
0x4b: {  	s12 =	simm.s32 $0x10  }
0x4c: {  	s13 =	sand.u32 $0x30, s12  }
0x4d: {  	v16 =	vor.u32 s13, v0;
	v6 =	vadd.s32 $0xFFFFFF00, v4;
	v11 =	vadd.s32 $0xFFFFFF00, v5  }
0x4e: {  	v4 =	vand.u32 $0x7F, v4;
	v12 =	vshll.u32 v7, $0x7;
	v8 =	vshra.s32 v6, $0x7  }
0x4f: {  	v5 =	vand.u32 $0x7F, v5;
	v17 =	vand.u32 $0x7F, v15;
	v10 =	vshll.u32 v8, $0xD  }
0x50: {  	v9 =	vld [tilespmem:s6+$0xFFFFFFF0];
	v4 =	vor.u32 v1, v4;
	v6 =	vand.u32 $0xFFFFFF80, v6;
	v10 =	vadd.s32 $0x6000, v10  }
0x51: {  	s25 =	simm.s32 $0xE30;
	v6 =	vadd.s32 $0x100, v6;
	v8 =	vmul.u32 v8, v10;
	v10 =	vshra.s32 v11, $0x7  }
0x52: {  	v17 =	vor.u32 v1, v17;
	vm1 =	vlt.s32 v7, v6;
	v6 =	vld [tilespmem:s25+$0x0];
	v13 =	vshll.u32 v10, $0xD  }
0x53: {  	v7 =	vor.u32 v1, v5;
	v8 =	vadd.s32 v12, v8;
	v13 =	vadd.s32 $0x6000, v13  }
0x54: {  	v14 =	vadd.s32 v8, v4;
	v13 =	vmul.u32 v10, v13;
	v10 =	vand.u32 $0xFFFFFF80, v11  }
0x55: {  	s8 =	simm.s32 $0x0;
	v12 =	vshll.u32 v9, $0x7;
	v8 =	vld [tilespmem:s10+$0xFFFFFFF0];
	v10 =	vadd.s32 $0x100, v10;
	vm2 =	vlt.s32 v14, v2  }
0x56: {  	s11 =	sand.u32 $0x20, s8;
	vm3 =	vgt.s32 v14, $0xFFFFFFFF;
	vm0 =	vlt.s32 v9, v10;
	v10 =	vadd.s32 $0xFFFFFF00, v15  }
0x57: {  	v4 =	vld [tilespmem:s25+$0xFFFFFFF0];
	v63 =	vshll.u32 v6, $0x7;
	v9 =	vor.u32 s11, v0;
	v15 =	vshra.s32 v10, $0x7  }
0x58: {  	s14 =	simm.s32 $0x0;
	v11 =	vadd.s32 v12, v13;
	vm1 =	vmand vm2, vm1;
	v18 =	vshll.u32 v15, $0xD  }
0x59: {  	s12 =	sand.u32 $0x70, s12;
	s3 =	sand.u32 $0xFFFFFF80, s14;
	v11 =	vadd.s32 v11, v7;
	vm2 =	vmand vm1, vm3;
	v7 =	vadd.s32 $0x6000, v18  }
0x5a: {  	s3 =	ssub.s32 $0x0, s3;
	s7 =	simm.s32 $0x2;
	s9 =	simm.s32 $0x0;
	vm3 =	vlt.s32 v11, v2;
	v12 =	vadd.s32 $0xFFFFFF00, v8;
	v7 =	vmul.u32 v15, v7  }
0x5b: {  	s6 =	simm.s32 $0x20;
	s9 =	sand.u32 $0x3FFFFF80, s9;
	s11 =	sand.u32 $0xFFFFFF80, s3;
	vm1 =	vgt.s32 v11, $0xFFFFFFFF;
	v14 =	vsel vm2, v14, v16;
	v13 =	vshra.s32 v12, $0x7  }
0x5c: {  	s10 =	sand.u32 $0x60, s8;
	s8 =	simm.s32 $0x2;
	s11 =	sadd.s32 s11, s9;
	v5 =	vshll.u32 v4, $0x7;
	v62 =	vshll.u32 v13, $0xD;
	v7 =	vadd.s32 v63, v7  }
0x5d: {  	s3 =	simm.s32 $0x20;
	s9 =	simm.s32 $0x50;
	s11 =	sadd.s32 $0x2A00, s11;
	vm0 =	vmand vm3, vm0;
	v15 =	vadd.s32 $0x6000, v62;
	v7 =	vadd.s32 v7, v17  }
.LBB2_4:
0x5e: {  	v16 =	vld [tilespmem:s9+$0x0];
	v13 =	vmul.u32 v13, v15;
	v15 =	vand.u32 $0x7F, v8;
	s25 =	sadd.s32 $0x20, s25;
	vm0 =	vmand vm0, vm1;
	s10 =	sor.u32 s10, s11;
	s11 =	sor.u32 s12, s11  }
0x5f: {  	s7 =	sadd.s32 $0x2, s7;
	v12 =	vand.u32 $0xFFFFFF80, v12;
	v10 =	vand.u32 $0xFFFFFF80, v10;
	s12 =	smov.u32 s3;
	v17 =	vld [tilespmem:s25+$0xFFFFFFF0];
	v9 =	vsel vm0, v11, v9;
	[tilespmem:s11+$0x0] =	vst v14;
	s11 =	smov.u32 s6  }
0x60: {  	s13 =	sand.u32 $0x20, s3;
	s14 =	sadd.s32 $0x10, s3;
	s6 =	sshll.u32 s7, $0x4;
	v11 =	vadd.s32 $0x100, v12;
	v10 =	vadd.s32 $0x100, v10;
	v8 =	vld [tilespmem:s9+$0xFFFFFFF0];
	[tilespmem:s10+$0x0] =	vst v9  }
0x61: {  	p1 =	slt.u32 s7, $0xDE;
	vm0 =	vlt.s32 v4, v11;
	v9 =	vor.u32 s13, v0;
	vm1 =	vlt.s32 v6, v10;
	s10 =	sand.u32 $0x30, s14  }
0x62: {  	vm2 =	vlt.s32 v7, v2;
	v11 =	vor.u32 v1, v15;
	v14 =	vor.u32 s10, v0  }
0x63: {  	vm3 =	vgt.s32 v7, $0xFFFFFFFF;
	v10 =	vadd.s32 $0xFFFFFF00, v16;
	v6 =	vld [tilespmem:s25+$0x0];
	v16 =	vand.u32 $0x7F, v16  }
0x64: {  	v13 =	vadd.s32 v5, v13;
	v15 =	vshra.s32 v10, $0x7;
	v5 =	vshll.u32 v17, $0x7;
	v4 =	vmovc v17  }
0x65: {  	v11 =	vadd.s32 v13, v11;
	s10 =	sshll.u32 s8, $0x4;
	v12 =	vadd.s32 $0xFFFFFF00, v8;
	v17 =	vshll.u32 v15, $0xD  }
.Ltmp1:
0x66: {  	vm1 =	vmand vm2, vm1;
	s10 =	sand.u32 $0xFFFFFF80, s10;
	v13 =	vshra.s32 v12, $0x7;
	v17 =	vadd.s32 $0x6000, v17;
	(pc) =	sbr.rel @p1 .LBB2_4-.Ltmp1, $4  }
0x67: {  	vm2 =	vmand vm1, vm3;
	s10 =	ssub.s32 s3, s10;
	v18 =	vshll.u32 v13, $0xD;
	v17 =	vmul.u32 v15, v17  }
0x68: {  	s11 =	sand.u32 $0x3FFFFF80, s11;
	vm3 =	vlt.s32 v11, v2;
	s3 =	sadd.s32 $0x20, s3;
	s13 =	sand.u32 $0xFFFFFF80, s10;
	v15 =	vadd.s32 $0x6000, v18;
	v18 =	vshll.u32 v6, $0x7  }
0x69: {  	s8 =	sadd.s32 $0x2, s8;
	vm1 =	vgt.s32 v11, $0xFFFFFFFF;
	v16 =	vor.u32 v1, v16;
	s10 =	sand.u32 $0x60, s12;
	s11 =	sadd.s32 s13, s11;
	v17 =	vadd.s32 v18, v17  }
0x6a: {  	s9 =	sadd.s32 $0x20, s9;
	vm0 =	vmand vm3, vm0;
	v14 =	vsel vm2, v7, v14;
	s12 =	sand.u32 $0x70, s14;
	s11 =	sadd.s32 $0x2A00, s11;
	v7 =	vadd.s32 v17, v16  }
0x6b: {  	v13 =	vmul.u32 v13, v15;
	v8 =	vand.u32 $0x7F, v8;
	vm0 =	vmand vm0, vm1  }
0x6c: {  	v12 =	vand.u32 $0xFFFFFF80, v12;
	v10 =	vand.u32 $0xFFFFFF80, v10;
	s8 =	sshll.u32 s8, $0x4;
	vm2 =	vlt.s32 v7, v2  }
0x6d: {  	vm3 =	vgt.s32 v7, $0xFFFFFFFF;
	v62 =	vadd.s32 $0x100, v12;
	v10 =	vadd.s32 $0x100, v10;
	s8 =	sand.u32 $0xFFFFFF80, s8  }
0x6e: {  	s7 =	sadd.s32 $0x10, s3;
	vm12 =	vlt.s32 v4, v62;
	v4 =	vor.u32 v1, v8;
	v5 =	vadd.s32 v5, v13;
	s8 =	ssub.s32 s3, s8  }
0x6f: {  	s6 =	sand.u32 $0x3FFFFF80, s6;
	s9 =	sand.u32 $0x30, s7;
	v9 =	vsel vm0, v11, v9;
	vm13 =	vlt.s32 v6, v10;
	v4 =	vadd.s32 v5, v4;
	s8 =	sand.u32 $0xFFFFFF80, s8  }
0x70: {  	s13 =	sor.u32 s10, s11;
	s14 =	sor.u32 s12, s11;
	v16 =	vor.u32 s9, v0;
	vm1 =	vmand vm2, vm13;
	s6 =	sadd.s32 s8, s6;
	vm14 =	vlt.s32 v4, v2  }
0x71: {  	s25 =	sand.u32 $0x20, s3;
	[tilespmem:s14+$0x0] =	vst v14;
	s7 =	sand.u32 $0x70, s7;
	vm1 =	vmand vm1, vm3;
	vm15 =	vgt.s32 v4, $0xFFFFFFFF;
	vm0 =	vmand vm14, vm12;
	s6 =	sadd.s32 $0x2A00, s6  }
0x72: {  	s10 =	sand.u32 $0x60, s3;
	[tilespmem:s13+$0x0] =	vst v9;
	v5 =	vor.u32 s25, v0;
	v63 =	vsel vm1, v7, v16;
	vm0 =	vmand vm0, vm15;
	s7 =	sor.u32 s7, s6  }
0x73: {  	s3 =	sor.u32 s10, s6;
	v4 =	vsel vm0, v4, v5;
	[tilespmem:s7+$0x0] =	vst v63  }
0x74: {  	[tilespmem:s3+$0x0] =	vst v4  }
0x75: {  	_ =	swait.ge [sflag:s29], $0xE00  }
0x76: {  	[sflag:s29] =	ssyncset.done $0x0  }
0x77: {  	[sflag:s29] =	ssyncadd.s32 $0xFFFFF200  }
0x78: {  	_ =	swait.ge [sflag:s30], $0x1400  }
0x79: {  	[sflag:s30] =	ssyncset.done $0x0  }
0x7a: {  	[sflag:s30] =	ssyncadd.s32 $0xFFFFEC00  }
0x7b: {  	_ =	swait.ge [sflag:s30], $0x1400  }
0x7c: {  	[sflag:s30] =	ssyncset.done $0x0  }
0x7d: {  	[sflag:s30] =	ssyncadd.s32 $0xFFFFEC00  }
0x7e: {  	_ =	swait.ge [sflag:s30], $0x1400  }
0x7f: {  	[sflag:s30] =	ssyncset.done $0x0  }
0x80: {  	[sflag:s30] =	ssyncadd.s32 $0xFFFFEC00  }
0x81: {  	_ =	swait.ge [sflag:s30], $0x1400  }
0x82: {  	[sflag:s30] =	ssyncset.done $0x0  }
0x83: {  	[sflag:s30] =	ssyncadd.s32 $0xFFFFEC00  }
0x84: {  	_ =	swait.ge [sflag:s30], $0x1400  }
0x85: {  	[sflag:s30] =	ssyncset.done $0x0  }
0x86: {  	[sflag:s30] =	ssyncadd.s32 $0xFFFFEC00  }
0x87: {  	_ =	swait.ge [sflag:s30], $0x1400  }
0x88: {  	[sflag:s30] =	ssyncset.done $0x0  }
0x89: {  	[sflag:s30] =	ssyncadd.s32 $0xFFFFEC00  }
0x8a: {  	_ =	swait.ge [sflag:s30], $0x1400  }
0x8b: {  	[sflag:s30] =	ssyncset.done $0x0  }
0x8c: {  	[sflag:s30] =	ssyncadd.s32 $0xFFFFEC00  }
0x8d: {  	_ =	swait.ge [sflag:s30], $0x1400  }
0x8e: {  	[sflag:s30] =	ssyncset.done $0x0  }
0x8f: {  	[sflag:s30] =	ssyncadd.s32 $0xFFFFEC00  }
0x90: {  	_ =	swait.ge [sflag:s30], $0x1400  }
0x91: {  	[sflag:s30] =	ssyncset.done $0x0  }
0x92: {  	[sflag:s30] =	ssyncadd.s32 $0xFFFFEC00  }
0x93: {  	_ =	swait.ge [sflag:s30], $0x1400  }
0x94: {  	[sflag:s30] =	ssyncset.done $0x0  }
0x95: {  	[sflag:s30] =	ssyncadd.s32 $0xFFFFEC00  }
0x96: {  	_ =	swait.ge [sflag:s30], $0x1400  }
0x97: {  	[sflag:s30] =	ssyncset.done $0x0  }
0x98: {  	[sflag:s30] =	ssyncadd.s32 $0xFFFFEC00  }
0x99: {  	_ =	swait.ge [sflag:s30], $0x1400  }
0x9a: {  	[sflag:s30] =	ssyncset.done $0x0  }
0x9b: {  	[sflag:s30] =	ssyncadd.s32 $0xFFFFEC00  }
0x9c: {  	s11 =	simm.s32 $0x2A00;
	[bflag:$0x0] =	sbarrier.arrive $0xFFFF  }
0x9d: {  	[spmem:s2] =	stream.indirect.scatter.add.f32 [tilespmem:s26], [sflag:$0x3], $0x1, s11, s23, $0xb8;
	[tilespmem:$0x13E40] =	vst v63  }
0x9e: {  	s12 =	simm.s32 $0x2A80;
	s13 =	simm.s32 $0x1C80  }
0x9f: {  	[spmem:s2] =	stream.indirect.scatter.add.f32 [tilespmem:s13], [sflag:$0x3], $0x1, s12, s23, $0xb8;
	[tilespmem:$0x13E40] =	vst v63  }
0xa0: {  	s14 =	simm.s32 $0x2B00;
	s25 =	simm.s32 $0x1D00  }
0xa1: {  	[spmem:s2] =	stream.indirect.scatter.add.f32 [tilespmem:s25], [sflag:$0x3], $0x1, s14, s23, $0xb8;
	[tilespmem:$0x13E40] =	vst v63  }
0xa2: {  	s6 =	simm.s32 $0x2B80;
	s7 =	simm.s32 $0x1D80  }
0xa3: {  	[spmem:s2] =	stream.indirect.scatter.add.f32 [tilespmem:s7], [sflag:$0x3], $0x1, s6, s23, $0xb8;
	[tilespmem:$0x13E40] =	vst v63  }
0xa4: {  	s9 =	simm.s32 $0x1E00;
	s8 =	simm.s32 $0x2C00  }
0xa5: {  	[spmem:s2] =	stream.indirect.scatter.add.f32 [tilespmem:s9], [sflag:$0x3], $0x1, s8, s23, $0xb8;
	[tilespmem:$0x13E40] =	vst v63  }
0xa6: {  	s10 =	simm.s32 $0x2C80;
	s11 =	simm.s32 $0x1E80  }
0xa7: {  	[spmem:s2] =	stream.indirect.scatter.add.f32 [tilespmem:s11], [sflag:$0x3], $0x1, s10, s23, $0xb8;
	[tilespmem:$0x13E40] =	vst v63  }
0xa8: {  	s12 =	simm.s32 $0x2D00;
	s13 =	simm.s32 $0x1F00  }
0xa9: {  	[spmem:s2] =	stream.indirect.scatter.add.f32 [tilespmem:s13], [sflag:$0x3], $0x1, s12, s23, $0xb8;
	[tilespmem:$0x13E40] =	vst v63  }
0xaa: {  	s14 =	simm.s32 $0x2D80;
	s25 =	simm.s32 $0x1F80  }
0xab: {  	[spmem:s2] =	stream.indirect.scatter.add.f32 [tilespmem:s25], [sflag:$0x3], $0x1, s14, s23, $0xb8;
	[tilespmem:$0x13E40] =	vst v63  }
0xac: {  	s6 =	simm.s32 $0x2E00;
	s7 =	simm.s32 $0x2000  }
0xad: {  	[spmem:s2] =	stream.indirect.scatter.add.f32 [tilespmem:s7], [sflag:$0x3], $0x1, s6, s23, $0xb8;
	[tilespmem:$0x13E40] =	vst v63  }
0xae: {  	s8 =	simm.s32 $0x2E80;
	s9 =	simm.s32 $0x2080  }
0xaf: {  	[spmem:s2] =	stream.indirect.scatter.add.f32 [tilespmem:s9], [sflag:$0x3], $0x1, s8, s23, $0xb8;
	[tilespmem:$0x13E40] =	vst v63  }
0xb0: {  	s10 =	simm.s32 $0x2F00;
	s11 =	simm.s32 $0x2100  }
0xb1: {  	[spmem:s2] =	stream.indirect.scatter.add.f32 [tilespmem:s11], [sflag:$0x3], $0x1, s10, s23, $0xb8;
	[tilespmem:$0x13E40] =	vst v63  }
0xb2: {  	s12 =	simm.s32 $0x2F80;
	s13 =	simm.s32 $0x2180  }
0xb3: {  	[spmem:s2] =	stream.indirect.scatter.add.f32 [tilespmem:s13], [sflag:$0x3], $0x1, s12, s23, $0xb8;
	[tilespmem:$0x13E40] =	vst v63  }
0xb4: {  	s14 =	simm.s32 $0x3000;
	s25 =	simm.s32 $0x2200  }
0xb5: {  	[spmem:s2] =	stream.indirect.scatter.add.f32 [tilespmem:s25], [sflag:$0x3], $0x1, s14, s23, $0xb8;
	[tilespmem:$0x13E40] =	vst v63  }
0xb6: {  	s6 =	simm.s32 $0x3080;
	s7 =	simm.s32 $0x2280  }
0xb7: {  	[spmem:s2] =	stream.indirect.scatter.add.f32 [tilespmem:s7], [sflag:$0x3], $0x1, s6, s23, $0xb8;
	[tilespmem:$0x13E40] =	vst v63  }
0xb8: {  	_ =	swait.ge [sflag:s31], $0x80  }
0xb9: {  	[sflag:s31] =	ssyncset.done $0x0  }
0xba: {  	[sflag:s31] =	ssyncadd.s32 $0xFFFFFF80  }
0xbb: {  	_ =	swait.ge [sflag:s31], $0x80  }
0xbc: {  	[sflag:s31] =	ssyncset.done $0x0  }
0xbd: {  	[sflag:s31] =	ssyncadd.s32 $0xFFFFFF80  }
0xbe: {  	_ =	swait.ge [sflag:s31], $0x80  }
0xbf: {  	[sflag:s31] =	ssyncset.done $0x0  }
0xc0: {  	[sflag:s31] =	ssyncadd.s32 $0xFFFFFF80  }
0xc1: {  	_ =	swait.ge [sflag:s31], $0x80  }
0xc2: {  	[sflag:s31] =	ssyncset.done $0x0  }
0xc3: {  	[sflag:s31] =	ssyncadd.s32 $0xFFFFFF80  }
0xc4: {  	_ =	swait.ge [sflag:s31], $0x80  }
0xc5: {  	[sflag:s31] =	ssyncset.done $0x0  }
0xc6: {  	[sflag:s31] =	ssyncadd.s32 $0xFFFFFF80  }
0xc7: {  	_ =	swait.ge [sflag:s31], $0x80  }
0xc8: {  	[sflag:s31] =	ssyncset.done $0x0  }
0xc9: {  	[sflag:s31] =	ssyncadd.s32 $0xFFFFFF80  }
0xca: {  	_ =	swait.ge [sflag:s31], $0x80  }
0xcb: {  	[sflag:s31] =	ssyncset.done $0x0  }
0xcc: {  	[sflag:s31] =	ssyncadd.s32 $0xFFFFFF80  }
0xcd: {  	_ =	swait.ge [sflag:s31], $0x80  }
0xce: {  	[sflag:s31] =	ssyncset.done $0x0  }
0xcf: {  	[sflag:s31] =	ssyncadd.s32 $0xFFFFFF80  }
0xd0: {  	_ =	swait.ge [sflag:s31], $0x80  }
0xd1: {  	[sflag:s31] =	ssyncset.done $0x0  }
0xd2: {  	[sflag:s31] =	ssyncadd.s32 $0xFFFFFF80  }
0xd3: {  	_ =	swait.ge [sflag:s31], $0x80  }
0xd4: {  	[sflag:s31] =	ssyncset.done $0x0  }
0xd5: {  	[sflag:s31] =	ssyncadd.s32 $0xFFFFFF80  }
0xd6: {  	_ =	swait.ge [sflag:s31], $0x80  }
0xd7: {  	[sflag:s31] =	ssyncset.done $0x0  }
0xd8: {  	[sflag:s31] =	ssyncadd.s32 $0xFFFFFF80  }
0xd9: {  	_ =	swait.ge [sflag:s31], $0x80  }
0xda: {  	[sflag:s31] =	ssyncset.done $0x0  }
0xdb: {  	[sflag:s31] =	ssyncadd.s32 $0xFFFFFF80  }
0xdc: {  	_ =	swait.ge [sflag:s31], $0x80  }
0xdd: {  	[sflag:s31] =	ssyncset.done $0x0  }
0xde: {  	[sflag:s31] =	ssyncadd.s32 $0xFFFFFF80  }
0xdf: {  	_ =	swait.ge [sflag:s31], $0x80  }
0xe0: {  	[sflag:s31] =	ssyncset.done $0x0  }
0xe1: {  	s8 =	simm.s32 $0x3100;
	s9 =	simm.s32 $0x2300;
	[sflag:s31] =	ssyncadd.s32 $0xFFFFFF80  }
0xe2: {  	[spmem:s2] =	stream.indirect.scatter.add.f32 [tilespmem:s9], [sflag:$0x3], $0x1, s8, s23, $0xb8;
	[tilespmem:$0x13E40] =	vst v63  }
0xe3: {  	s10 =	simm.s32 $0x3180;
	s11 =	simm.s32 $0x2380  }
0xe4: {  	[spmem:s2] =	stream.indirect.scatter.add.f32 [tilespmem:s11], [sflag:$0x3], $0x1, s10, s23, $0xb8;
	[tilespmem:$0x13E40] =	vst v63  }
0xe5: {  	s12 =	simm.s32 $0x3200;
	s13 =	simm.s32 $0x2400  }
0xe6: {  	[spmem:s2] =	stream.indirect.scatter.add.f32 [tilespmem:s13], [sflag:$0x3], $0x1, s12, s23, $0xb8;
	[tilespmem:$0x13E40] =	vst v63  }
0xe7: {  	s14 =	simm.s32 $0x3280;
	s25 =	simm.s32 $0x2480  }
0xe8: {  	[spmem:s2] =	stream.indirect.scatter.add.f32 [tilespmem:s25], [sflag:$0x3], $0x1, s14, s23, $0xb8;
	[tilespmem:$0x13E40] =	vst v63  }
0xe9: {  	s6 =	simm.s32 $0x3300;
	s7 =	simm.s32 $0x2500  }
0xea: {  	[spmem:s2] =	stream.indirect.scatter.add.f32 [tilespmem:s7], [sflag:$0x3], $0x1, s6, s23, $0xb8;
	[tilespmem:$0x13E40] =	vst v63  }
0xeb: {  	s8 =	simm.s32 $0x3380;
	s9 =	simm.s32 $0x2580  }
0xec: {  	[spmem:s2] =	stream.indirect.scatter.add.f32 [tilespmem:s9], [sflag:$0x3], $0x1, s8, s23, $0xb8;
	[tilespmem:$0x13E40] =	vst v63  }
0xed: {  	s10 =	simm.s32 $0x3400;
	s11 =	simm.s32 $0x2600  }
0xee: {  	[spmem:s2] =	stream.indirect.scatter.add.f32 [tilespmem:s11], [sflag:$0x3], $0x1, s10, s23, $0xb8;
	[tilespmem:$0x13E40] =	vst v63  }
0xef: {  	s12 =	simm.s32 $0x3480;
	s13 =	simm.s32 $0x2680  }
0xf0: {  	[spmem:s2] =	stream.indirect.scatter.add.f32 [tilespmem:s13], [sflag:$0x3], $0x1, s12, s23, $0xb8;
	[tilespmem:$0x13E40] =	vst v63  }
0xf1: {  	s14 =	simm.s32 $0x3500;
	s25 =	simm.s32 $0x2700  }
0xf2: {  	[spmem:s2] =	stream.indirect.scatter.add.f32 [tilespmem:s25], [sflag:$0x3], $0x1, s14, s23, $0xb8;
	[tilespmem:$0x13E40] =	vst v63  }
0xf3: {  	s6 =	simm.s32 $0x3580;
	s7 =	simm.s32 $0x2780  }
0xf4: {  	[spmem:s2] =	stream.indirect.scatter.add.f32 [tilespmem:s7], [sflag:$0x3], $0x1, s6, s23, $0xb8;
	[tilespmem:$0x13E40] =	vst v63  }
0xf5: {  	s8 =	simm.s32 $0x3600;
	s9 =	simm.s32 $0x2800  }
0xf6: {  	[spmem:s2] =	stream.indirect.scatter.add.f32 [tilespmem:s9], [sflag:$0x3], $0x1, s8, s23, $0xb8;
	[tilespmem:$0x13E40] =	vst v63  }
0xf7: {  	s10 =	simm.s32 $0x3680;
	s11 =	simm.s32 $0x2880  }
0xf8: {  	[spmem:s2] =	stream.indirect.scatter.add.f32 [tilespmem:s11], [sflag:$0x3], $0x1, s10, s23, $0xb8;
	[tilespmem:$0x13E40] =	vst v63  }
0xf9: {  	s12 =	simm.s32 $0x3700;
	s13 =	simm.s32 $0x2900  }
0xfa: {  	[spmem:s2] =	stream.indirect.scatter.add.f32 [tilespmem:s13], [sflag:$0x3], $0x1, s12, s23, $0xb8;
	[tilespmem:$0x13E40] =	vst v63  }
0xfb: {  	s14 =	simm.s32 $0x3780;
	s25 =	simm.s32 $0x2980  }
0xfc: {  	[spmem:s2] =	stream.indirect.scatter.add.f32 [tilespmem:s25], [sflag:$0x3], $0x1, s14, s23, $0xb8;
	[tilespmem:$0x13E40] =	vst v63  }
0xfd: {  	_ =	swait.ge [sflag:s31], $0x80  }
0xfe: {  	[sflag:s31] =	ssyncset.done $0x0  }
0xff: {  	[sflag:s31] =	ssyncadd.s32 $0xFFFFFF80  }
0x100: {  	_ =	swait.ge [sflag:s31], $0x80  }
0x101: {  	[sflag:s31] =	ssyncset.done $0x0  }
0x102: {  	[sflag:s31] =	ssyncadd.s32 $0xFFFFFF80  }
0x103: {  	_ =	swait.ge [sflag:s31], $0x80  }
0x104: {  	[sflag:s31] =	ssyncset.done $0x0  }
0x105: {  	[sflag:s31] =	ssyncadd.s32 $0xFFFFFF80  }
0x106: {  	_ =	swait.ge [sflag:s31], $0x80  }
0x107: {  	[sflag:s31] =	ssyncset.done $0x0  }
0x108: {  	[sflag:s31] =	ssyncadd.s32 $0xFFFFFF80  }
0x109: {  	_ =	swait.ge [sflag:s31], $0x80  }
0x10a: {  	[sflag:s31] =	ssyncset.done $0x0  }
0x10b: {  	[sflag:s31] =	ssyncadd.s32 $0xFFFFFF80  }
0x10c: {  	_ =	swait.ge [sflag:s31], $0x80  }
0x10d: {  	[sflag:s31] =	ssyncset.done $0x0  }
0x10e: {  	[sflag:s31] =	ssyncadd.s32 $0xFFFFFF80  }
0x10f: {  	_ =	swait.ge [sflag:s31], $0x80  }
0x110: {  	[sflag:s31] =	ssyncset.done $0x0  }
0x111: {  	[sflag:s31] =	ssyncadd.s32 $0xFFFFFF80  }
0x112: {  	_ =	swait.ge [sflag:s31], $0x80  }
0x113: {  	[sflag:s31] =	ssyncset.done $0x0  }
0x114: {  	[sflag:s31] =	ssyncadd.s32 $0xFFFFFF80  }
0x115: {  	_ =	swait.ge [sflag:s31], $0x80  }
0x116: {  	[sflag:s31] =	ssyncset.done $0x0  }
0x117: {  	[sflag:s31] =	ssyncadd.s32 $0xFFFFFF80  }
0x118: {  	_ =	swait.ge [sflag:s31], $0x80  }
0x119: {  	[sflag:s31] =	ssyncset.done $0x0  }
0x11a: {  	[sflag:s31] =	ssyncadd.s32 $0xFFFFFF80  }
0x11b: {  	_ =	swait.ge [sflag:s31], $0x80  }
0x11c: {  	[sflag:s31] =	ssyncset.done $0x0  }
0x11d: {  	[sflag:s31] =	ssyncadd.s32 $0xFFFFFF80  }
0x11e: {  	_ =	swait.ge [sflag:s31], $0x80  }
0x11f: {  	[sflag:s31] =	ssyncset.done $0x0  }
0x120: {  	[sflag:s31] =	ssyncadd.s32 $0xFFFFFF80  }
0x121: {  	_ =	swait.ge [sflag:s31], $0x80  }
0x122: {  	[sflag:s31] =	ssyncset.done $0x0  }
0x123: {  	[sflag:s31] =	ssyncadd.s32 $0xFFFFFF80  }
0x124: {  	_ =	swait.ge [sflag:s31], $0x80  }
0x125: {  	[sflag:s31] =	ssyncset.done $0x0  }
0x126: {  	s3 =	sshll.u32 @p0 s1, $0x6;
	[sflag:s31] =	ssyncadd.s32 $0xFFFFFF80  }
0x127: {  	s3 =	sor.u32 @p0 $0x1C04, s3;
	[bflag:$0x0] =	sbarrier.arrive $0xFFFF  }
0x128: {  	[hbm:s20], [sflag:s3] =	dma.local @p0 [spmem:s22], $0x1D80  }
0x129: {  	s3 =	simm.s32 @p0 $0x4  }
0x12a: {  	s0 =	sadd.s32 $0x1, s0;
	_ =	swait.ge @p0 [sflag:s3], $0x1D80  }
0x12b: {  	p1 =	sne.s32 s0, s21;
	s6 =	sshll.u32 @!p0 s1, $0x6;
	[sflag:s3] =	ssyncset.done @p0 $0x0  }
0x12c: {  	[sflag:s3] =	ssyncadd.s32 @p0 $0xFFFFE280;
	s3 =	sor.u32 @!p0 $0x1C04, s6;
	s6 =	sshrl.u32 @!p0 s5, $0x3  }
0x12d: {  	[hbm:s19], [sflag:s3] =	dma.local @!p0 [spmem:s6], $0x1E00  }
.Ltmp2:
0x12e: {  	_ = 	snop;
	(pc) =	sbr.rel @p1 .LBB2_1-.Ltmp2, $4  }
0x12f: {  	s3 =	simm.s32 @!p0 $0x4  }
0x130: {  	_ =	swait.ge @!p0 [sflag:s3], $0x1E00  }
0x131: {  	[sflag:s3] =	ssyncset.done @!p0 $0x0  }
0x132: {  	[sflag:s3] =	ssyncadd.s32 @!p0 $0xFFFFE200  }
0x133: {  	_ =	sfence.sel $0x180000  }
0x134: {  	[bflag:$0x0] =	sbarrier.arrive $0xFFFF  }
0x135: {  	_ =	strace $0x90000047  }
0x136: {  	[bflag:$0x2] =	sbarrier.arrive $0xFFFF  }
0x137: {  	p0 =	sne.s32 s1, $0x0;
	s0 =	rddreg [dreg:$0x4]  }
0x138: {  	s0 =	sadd.s32 @!p0 $0x100000, s0  }
0x139: {  	[sflag:s0] =	ssyncadd.tile.s32 @!p0 $0x1;
	_ =	shalt  }
.Lfunc_end2:
_tile_overlayer_lowered:
.L_overlay_start_2:
0x13a: {  	(tag) =	ssettag $0x2  }
0x13b: {  	s0 =	rddreg [dreg:$0x0];
	s2 =	stileid.u32  }
0x13c: {  	s1 =	rddreg [dreg:$0x1];
	p0 =	sne.s32 s2, $0x0  }
0x13d: {  	s3 =	rddreg [dreg:$0x2];
	[bflag:$0x3] =	sbarrier.arrive $0xFFFF;
	s2 =	simm.s32 @!p0 $0x1C04  }
0x13e: {  	[timem:s3], [sflag:s2] =	dma.local @!p0 [hbm:s0], s1  }
0x13f: {  	s0 =	simm.s32 @!p0 $0x4  }
0x140: {  	_ =	swait.ge @!p0 [sflag:s0], s1  }
0x141: {  	s1 =	ssub.s32 @!p0 $0x0, s1;
	[sflag:s0] =	ssyncset.done @!p0 $0x0  }
0x142: {  	[sflag:s0] =	ssyncadd.s32 @!p0 s1  }
0x143: {  	[bflag:$0x3] =	sbarrier.arrive $0xFFFF  }
0x144: {  	_ =	shalt  }

</sc_bundles>
